<compile_context>
chip_gen: v7x
topology: tpu7x:2x2x1
jax: 0.10.2.dev20260603
libtpu: 0.0.44.dev20260713+nightly
codegen_flags: <defaults>
</compile_context>

<pallas_src>
import functools

import jax
import jax.numpy as jnp
from jax import lax
from jax.experimental import pallas as pl
from jax.experimental.pallas import tpu as pltpu
from jax.experimental.pallas import tpu_sc as plsc

N = 10000
N_PAD = 10240
E = 320000
F_IN = 128
H1 = 128
EMB = 64
ACT = 18

NUM_CORES = 2
NUM_SUBCORES = 16
NW = NUM_CORES * NUM_SUBCORES
CHUNK = 128
SCHUNKS = 80
TCHUNKS = SCHUNKS
IDX_PAD = NW * TCHUNKS * CHUNK
ROWS_PER_SUB = N_PAD // NUM_SUBCORES

BLK = 1280
GRID = N_PAD // BLK


def _sc_mesh():
    return plsc.VectorSubcoreMesh(
        core_axis_name="c", subcore_axis_name="s",
        num_cores=NUM_CORES, num_subcores=NUM_SUBCORES)



def _make_deg_kernel():
    @functools.partial(
        pl.kernel,
        out_type=jax.ShapeDtypeStruct((NUM_CORES, N_PAD, 16), jnp.float32),
        mesh=_sc_mesh(),
        scratch_types=[
            pltpu.VMEM((TCHUNKS, CHUNK), jnp.int32),
            pltpu.VMEM((CHUNK, 16), jnp.float32),
            pltpu.VMEM_SHARED((N_PAD, 16), jnp.float32),
            pltpu.SemaphoreType.DMA,
            pltpu.SemaphoreType.DMA,
        ],
        compiler_params=pltpu.CompilerParams(use_tc_tiling_on_sc=False),
    )
    def deg_kernel(dst_hbm, ones_hbm, zeros_hbm, out_hbm, dst_v, ones_v, acc,
                   sem0, sem1):
        c = lax.axis_index("c")
        s = lax.axis_index("s")
        wid = s * NUM_CORES + c
        row0 = s * ROWS_PER_SUB
        pltpu.sync_copy(zeros_hbm.at[pl.ds(row0, ROWS_PER_SUB)],
                        acc.at[pl.ds(row0, ROWS_PER_SUB)])
        pltpu.sync_copy(dst_hbm.at[wid], dst_v)
        pltpu.sync_copy(ones_hbm, ones_v)
        plsc.subcore_barrier()

        def body(i, carry):
            d0 = pltpu.async_copy(ones_v, acc.at[dst_v.at[2 * i]], sem0,
                                  add=True)
            d1 = pltpu.async_copy(ones_v, acc.at[dst_v.at[2 * i + 1]], sem1,
                                  add=True)
            d0.wait()
            d1.wait()
            return carry

        lax.fori_loop(0, SCHUNKS // 2, body, 0)
        plsc.subcore_barrier()
        pltpu.sync_copy(acc.at[pl.ds(row0, ROWS_PER_SUB)],
                        out_hbm.at[c].at[pl.ds(row0, ROWS_PER_SUB)])

    return deg_kernel


def _make_edge_kernel(d, dtype=jnp.bfloat16):
    @functools.partial(
        pl.kernel,
        out_type=jax.ShapeDtypeStruct((NUM_CORES, N_PAD, d), dtype),
        mesh=_sc_mesh(),
        scratch_types=[
            pltpu.VMEM((TCHUNKS, CHUNK), jnp.int32),
            pltpu.VMEM((TCHUNKS, CHUNK), jnp.int32),
            pltpu.VMEM((CHUNK, d), dtype),
            pltpu.VMEM((CHUNK, d), dtype),
            pltpu.VMEM_SHARED((N_PAD, d), dtype),
            pltpu.VMEM_SHARED((N_PAD, d), dtype),
            pltpu.SemaphoreType.DMA,
            pltpu.SemaphoreType.DMA,
        ],
        compiler_params=pltpu.CompilerParams(use_tc_tiling_on_sc=False),
    )
    def edge_kernel(table_hbm, src_hbm, dst_hbm, zeros_hbm, out_hbm,
                    src_v, dst_v, rows0, rows1, acc, table_s, sem0, sem1):
        c = lax.axis_index("c")
        s = lax.axis_index("s")
        wid = s * NUM_CORES + c
        row0 = s * ROWS_PER_SUB

        pltpu.sync_copy(table_hbm.at[pl.ds(row0, ROWS_PER_SUB)],
                        table_s.at[pl.ds(row0, ROWS_PER_SUB)])

        @pl.when(c == 0)
        def _():
            pltpu.sync_copy(table_hbm.at[pl.ds(row0, ROWS_PER_SUB)],
                            acc.at[pl.ds(row0, ROWS_PER_SUB)])

        @pl.when(c != 0)
        def _():
            pltpu.sync_copy(zeros_hbm.at[pl.ds(row0, ROWS_PER_SUB)],
                            acc.at[pl.ds(row0, ROWS_PER_SUB)])

        pltpu.sync_copy(src_hbm.at[wid], src_v)
        pltpu.sync_copy(dst_hbm.at[wid], dst_v)
        plsc.subcore_barrier()
        pltpu.async_copy(table_s.at[src_v.at[0]], rows0, sem0).wait()

        def body(i, carry):
            c0 = 2 * i
            c1 = 2 * i + 1
            d1 = pltpu.async_copy(table_s.at[src_v.at[c1]], rows1, sem1)
            pltpu.sync_copy(rows0, acc.at[dst_v.at[c0]], add=True)
            d1.wait()
            d0 = pltpu.async_copy(table_s.at[src_v.at[c0 + 2]], rows0, sem0)
            pltpu.sync_copy(rows1, acc.at[dst_v.at[c1]], add=True)
            d0.wait()
            return carry

        lax.fori_loop(0, SCHUNKS // 2 - 1, body, 0)
        dl = pltpu.async_copy(table_s.at[src_v.at[SCHUNKS - 1]], rows1, sem1)
        pltpu.sync_copy(rows0, acc.at[dst_v.at[SCHUNKS - 2]], add=True)
        dl.wait()
        pltpu.sync_copy(rows1, acc.at[dst_v.at[SCHUNKS - 1]], add=True)
        plsc.subcore_barrier()
        pltpu.sync_copy(acc.at[pl.ds(row0, ROWS_PER_SUB)],
                        out_hbm.at[c].at[pl.ds(row0, ROWS_PER_SUB)])

    return edge_kernel



def _dinv_block(deg0, deg1):
    d = deg0[:, 0:1] + deg1[:, 0:1] + 1.0
    return lax.rsqrt(d)


def _mm1_body(x_ref, w_ref, deg0_ref, deg1_ref, o_ref):
    dinv = _dinv_block(deg0_ref[...], deg1_ref[...])
    u = jnp.dot(x_ref[...], w_ref[...], preferred_element_type=jnp.float32)
    o_ref[...] = (u * dinv).astype(o_ref.dtype)


def _combine_mm2_body(p0_ref, p1_ref, deg0_ref, deg1_ref, b1_ref, w2_ref, o_ref):
    dinv = _dinv_block(deg0_ref[...], deg1_ref[...])
    psum = p0_ref[...].astype(jnp.float32) + p1_ref[...].astype(jnp.float32)
    x1 = jnp.maximum(psum * dinv + b1_ref[...], 0.0)
    u = jnp.dot(x1, w2_ref[...], preferred_element_type=jnp.float32)
    o_ref[...] = (u * dinv).astype(o_ref.dtype)


def _pool_head_body(q0_ref, q1_ref, deg0_ref, deg1_ref, b2_ref,
                    fw_ref, fb_ref, ow_ref, ob_ref, o_ref, acc_ref):
    i = pl.program_id(0)
    dinv = _dinv_block(deg0_ref[...], deg1_ref[...])
    qsum = q0_ref[...].astype(jnp.float32) + q1_ref[...].astype(jnp.float32)
    x2 = jnp.maximum(qsum * dinv + b2_ref[...], 0.0)
    rid = i * BLK + lax.broadcasted_iota(jnp.int32, (BLK, EMB), 0)
    x2 = jnp.where(rid < N, x2, 0.0)
    s = jnp.sum(x2, axis=0, keepdims=True)

    @pl.when(i == 0)
    def _():
        acc_ref[...] = s

    @pl.when(i > 0)
    def _():
        acc_ref[...] += s

    @pl.when(i == GRID - 1)
    def _():
        pooled = acc_ref[...] * (1.0 / N)
        hid = jnp.dot(pooled, fw_ref[...], preferred_element_type=jnp.float32)
        hid = jnp.maximum(hid + fb_ref[...], 0.0)
        o_ref[...] = (jnp.dot(hid, ow_ref[...], preferred_element_type=jnp.float32)
                      + ob_ref[...])


def _row_spec(width):
    return pl.BlockSpec((BLK, width), lambda i: (i, 0))


def _full_spec(shape):
    return pl.BlockSpec(shape, lambda i: (0,) * len(shape))



def kernel(node_features, edge_index, W1, b1, W2, b2, fc_W, fc_b, out_W, out_b):
    x = node_features.reshape(-1, F_IN)
    ei = edge_index.reshape(2, -1).astype(jnp.int32)
    src = ei[0]
    dst = ei[1]

    e_sc = NW * SCHUNKS * CHUNK
    src_p = jnp.pad(src, (0, e_sc - E), constant_values=N).reshape(
        NW, SCHUNKS, CHUNK)
    dst_p = jnp.pad(dst, (0, e_sc - E), constant_values=N).reshape(
        NW, SCHUNKS, CHUNK)

    x_pad = jnp.pad(x, ((0, N_PAD - N), (0, 0)))
    zeros16 = jnp.zeros((N_PAD, 16), jnp.float32)
    zeros128 = jnp.zeros((N_PAD, H1), jnp.bfloat16)
    zeros64 = jnp.zeros((N_PAD, EMB), jnp.bfloat16)
    ones16 = jnp.ones((CHUNK, 16), jnp.float32)

    deg = _make_deg_kernel()(dst_p, ones16, zeros16)
    deg0, deg1 = deg[0], deg[1]

    h1p = pl.pallas_call(
        _mm1_body,
        grid=(GRID,),
        in_specs=[_row_spec(F_IN), _full_spec((F_IN, H1)),
                  _row_spec(16), _row_spec(16)],
        out_specs=_row_spec(H1),
        out_shape=jax.ShapeDtypeStruct((N_PAD, H1), jnp.bfloat16),
    )(x_pad, W1, deg0, deg1)

    p = _make_edge_kernel(H1)(h1p, src_p, dst_p, zeros128)

    h2p = pl.pallas_call(
        _combine_mm2_body,
        grid=(GRID,),
        in_specs=[_row_spec(H1), _row_spec(H1), _row_spec(16), _row_spec(16),
                  _full_spec((1, H1)), _full_spec((H1, EMB))],
        out_specs=_row_spec(EMB),
        out_shape=jax.ShapeDtypeStruct((N_PAD, EMB), jnp.bfloat16),
    )(p[0], p[1], deg0, deg1, b1.reshape(1, H1), W2)

    q = _make_edge_kernel(EMB)(h2p, src_p, dst_p, zeros64)

    q_values = pl.pallas_call(
        _pool_head_body,
        grid=(GRID,),
        in_specs=[_row_spec(EMB), _row_spec(EMB), _row_spec(16), _row_spec(16),
                  _full_spec((1, EMB)), _full_spec((EMB, EMB)),
                  _full_spec((1, EMB)), _full_spec((EMB, ACT)),
                  _full_spec((1, ACT))],
        out_specs=pl.BlockSpec((1, ACT), lambda i: (0, 0)),
        out_shape=jax.ShapeDtypeStruct((1, ACT), jnp.float32),
        scratch_shapes=[pltpu.VMEM((1, EMB), jnp.float32)],
    )(q[0], q[1], deg0, deg1, b2.reshape(1, EMB), fc_W,
      fc_b.reshape(1, EMB), out_W, out_b.reshape(1, ACT))

    return q_values

# --- scband reference (transcript-rebuilt; emitter-appended) ---
"""Pipeline reference for scband-combined-gcn-88167088652919 (READ-ONLY COPY).

The authoritative reference and input builder live on the scoring server;
editing this copy changes nothing except your own understanding.
"""

import jax, jax.numpy as jnp
import numpy as np

B = 1
N = 10000
E = 320000
F_IN = 128
H1 = 128
EMB = 64
ACT = 18


def setup_inputs(seed: int = 0) -> dict:
    key = jax.random.key(seed)
    ks = jax.random.split(key, 12)
    node_features = jax.random.normal(ks[0], (B, N, F_IN), dtype=jnp.float32)
    edge_index = jax.random.randint(ks[1], (B, 2, E), 0, N, dtype=jnp.int32)
    W1 = jax.random.normal(ks[2], (F_IN, H1), dtype=jnp.float32) * (1.0 / np.sqrt(F_IN))
    b1 = jnp.zeros((H1,), dtype=jnp.float32)
    W2 = jax.random.normal(ks[3], (H1, EMB), dtype=jnp.float32) * (1.0 / np.sqrt(H1))
    b2 = jnp.zeros((EMB,), dtype=jnp.float32)
    fc_W = jax.random.normal(ks[4], (EMB, EMB), dtype=jnp.float32) * (1.0 / np.sqrt(EMB))
    fc_b = jnp.zeros((EMB,), dtype=jnp.float32)
    out_W = jax.random.normal(ks[5], (EMB, ACT), dtype=jnp.float32) * (1.0 / np.sqrt(EMB))
    out_b = jnp.zeros((ACT,), dtype=jnp.float32)
    return {"node_features": node_features, "edge_index": edge_index, "W1": W1, "b1": b1, "W2": W2, "b2": b2, "fc_W": fc_W, "fc_b": fc_b, "out_W": out_W, "out_b": out_b}


def _gcn_conv(x, src, dst, W, b, num_nodes):
    # PyG GCNConv: h = X W; norm = D^{-1/2} (A+I) D^{-1/2}; out = norm-aggregated h + b
    h = x @ W
    deg = jnp.zeros((num_nodes,), dtype=h.dtype).at[dst].add(1.0)
    dinv = jnp.where(deg > 0, deg ** -0.5, 0.0)
    norm = dinv[src] * dinv[dst]
    msg = h[src] * norm[:, None]
    out = jnp.zeros((num_nodes, h.shape[1]), dtype=h.dtype).at[dst].add(msg)
    return out + b


def reference(node_features, edge_index, W1, b1, W2, b2, fc_W, fc_b, out_W, out_b):
    Bn, Nn, Fn = node_features.shape
    x = node_features.reshape(-1, Fn)
    ei = edge_index.reshape(2, -1).astype(jnp.int32)
    num_nodes = Bn * Nn
    loop = jnp.arange(num_nodes, dtype=ei.dtype)
    src = jnp.concatenate([ei[0], loop])
    dst = jnp.concatenate([ei[1], loop])
    batch = jnp.repeat(jnp.arange(Bn), Nn)
    x = jax.nn.relu(_gcn_conv(x, src, dst, W1, b1, num_nodes))
    x = jax.nn.relu(_gcn_conv(x, src, dst, W2, b2, num_nodes))
    sums = jax.ops.segment_sum(x, batch, num_segments=Bn)
    counts = jax.ops.segment_sum(jnp.ones((num_nodes,), x.dtype), batch, num_segments=Bn)
    pooled = sums / counts[:, None]
    hid = jax.nn.relu(pooled @ fc_W + fc_b)
    q_values = hid @ out_W + out_b
    return q_values

if __name__ == "__main__":
    import jax
    _d = setup_inputs()
    print(jax.jit(kernel)(*tuple(_d.values())))

</pallas_src>

<mosaic_0001>
#map = affine_map<(d0, d1) -> (0, 0, 0)>
#map1 = affine_map<(d0, d1) -> (0, 0)>
module attributes {stable_mosaic.version = 14 : i64} {
  func.func @deg_kernel(%arg0: i32, %arg1: i32, %arg2: memref<32x80x128xi32, #tpu.memory_space<hbm>>, %arg3: memref<128x16xf32, #tpu.memory_space<hbm>>, %arg4: memref<10240x16xf32, #tpu.memory_space<hbm>>, %arg5: memref<2x10240x16xf32, #tpu.memory_space<hbm>>, %arg6: memref<80x128xi32, #tpu.memory_space<vmem>>, %arg7: memref<128x16xf32, #tpu.memory_space<vmem>>, %arg8: memref<10240x16xf32, #tpu.memory_space<vmem_shared>>, %arg9: memref<!tpu.dma_semaphore, #tpu.memory_space<semaphore_mem>>, %arg10: memref<!tpu.dma_semaphore, #tpu.memory_space<semaphore_mem>>) attributes {dimension_semantics = [#tpu.dimension_semantics<core_parallel>, #tpu.dimension_semantics<subcore_parallel>], iteration_bounds = array<i64: 2, 16>, scalar_prefetch = 0 : i64, scratch_operands = 5 : i64, tpu.core_type = #tpu.core_type<sc_vector_subcore>, window_params = [{transform_indices = #map}, {transform_indices = #map1}, {transform_indices = #map1}, {transform_indices = #map}]} {
    %mul3A = arith.constant 2 : i32
    %mul3A_0 = arith.muli %arg1, %mul3A : i32
    %add3A = arith.addi %mul3A_0, %arg0 : i32
    %mul3A_1 = arith.constant 640 : i32
    %mul3A_2 = arith.muli %arg1, %mul3A_1 : i32
    "tpu.region"() ({
      %run_scoped3A = tpu.sem_alloc : memref<!tpu.dma_semaphore, #tpu.memory_space<semaphore_mem>>
      %dma_start3A = arith.constant 0 : i32
      %dma_start3A_9 = tpu.memref_slice %arg8[%mul3A_2, %dma_start3A] : memref<10240x16xf32, #tpu.memory_space<vmem_shared>> -> memref<640x16xf32, #tpu.memory_space<vmem_shared>>
      %dma_start3A_10 = arith.constant 0 : i32
      %dma_start3A_11 = tpu.memref_slice %arg4[%mul3A_2, %dma_start3A_10] : memref<10240x16xf32, #tpu.memory_space<hbm>> -> memref<640x16xf32, #tpu.memory_space<hbm>>
      tpu.enqueue_dma source(%dma_start3A_11 : memref<640x16xf32, #tpu.memory_space<hbm>>) target(%dma_start3A_9 : memref<640x16xf32, #tpu.memory_space<vmem_shared>>) target_semaphore(%run_scoped3A : memref<!tpu.dma_semaphore, #tpu.memory_space<semaphore_mem>>)
      %dma_wait3A = arith.constant 0 : i32
      %dma_wait3A_12 = tpu.memref_slice %arg8[%mul3A_2, %dma_wait3A] : memref<10240x16xf32, #tpu.memory_space<vmem_shared>> -> memref<640x16xf32, #tpu.memory_space<vmem_shared>>
      %dma_wait3A_13 = arith.constant 0 : i32
      %dma_wait3A_14 = tpu.memref_slice %arg4[%mul3A_2, %dma_wait3A_13] : memref<10240x16xf32, #tpu.memory_space<hbm>> -> memref<640x16xf32, #tpu.memory_space<hbm>>
      tpu.wait_dma2 semaphore(%run_scoped3A : memref<!tpu.dma_semaphore, #tpu.memory_space<semaphore_mem>>) src(%dma_wait3A_14 : memref<640x16xf32, #tpu.memory_space<hbm>>) dst(%dma_wait3A_12 : memref<640x16xf32, #tpu.memory_space<vmem_shared>>)
      tpu.yield
    }) : () -> ()
    "tpu.region"() ({
      %run_scoped3A = tpu.sem_alloc : memref<!tpu.dma_semaphore, #tpu.memory_space<semaphore_mem>>
      %dma_start3A = arith.constant 0 : i32
      %dma_start3A_9 = arith.constant 0 : i32
      %dma_start3A_10 = tpu.memref_slice %arg2[%add3A, %dma_start3A, %dma_start3A_9] : memref<32x80x128xi32, #tpu.memory_space<hbm>> -> memref<1x80x128xi32, #tpu.memory_space<hbm>>
      %dma_start3A_11 = tpu.memref_squeeze %dma_start3A_10 : memref<1x80x128xi32, #tpu.memory_space<hbm>> -> memref<80x128xi32, #tpu.memory_space<hbm>>
      %dma_start3A_12 = arith.constant 0 : i32
      %dma_start3A_13 = arith.constant 0 : i32
      %dma_start3A_14 = tpu.memref_slice %arg2[%add3A, %dma_start3A_12, %dma_start3A_13] : memref<32x80x128xi32, #tpu.memory_space<hbm>> -> memref<1x80x128xi32, #tpu.memory_space<hbm>>
      %dma_start3A_15 = tpu.memref_squeeze %dma_start3A_14 : memref<1x80x128xi32, #tpu.memory_space<hbm>> -> memref<80x128xi32, #tpu.memory_space<hbm>>
      tpu.enqueue_dma source(%dma_start3A_15 : memref<80x128xi32, #tpu.memory_space<hbm>>) target(%arg6 : memref<80x128xi32, #tpu.memory_space<vmem>>) target_semaphore(%run_scoped3A : memref<!tpu.dma_semaphore, #tpu.memory_space<semaphore_mem>>)
      %dma_wait3A = arith.constant 0 : i32
      %dma_wait3A_16 = arith.constant 0 : i32
      %dma_wait3A_17 = tpu.memref_slice %arg2[%add3A, %dma_wait3A, %dma_wait3A_16] : memref<32x80x128xi32, #tpu.memory_space<hbm>> -> memref<1x80x128xi32, #tpu.memory_space<hbm>>
      %dma_wait3A_18 = tpu.memref_squeeze %dma_wait3A_17 : memref<1x80x128xi32, #tpu.memory_space<hbm>> -> memref<80x128xi32, #tpu.memory_space<hbm>>
      %dma_wait3A_19 = arith.constant 0 : i32
      %dma_wait3A_20 = arith.constant 0 : i32
      %dma_wait3A_21 = tpu.memref_slice %arg2[%add3A, %dma_wait3A_19, %dma_wait3A_20] : memref<32x80x128xi32, #tpu.memory_space<hbm>> -> memref<1x80x128xi32, #tpu.memory_space<hbm>>
      %dma_wait3A_22 = tpu.memref_squeeze %dma_wait3A_21 : memref<1x80x128xi32, #tpu.memory_space<hbm>> -> memref<80x128xi32, #tpu.memory_space<hbm>>
      tpu.wait_dma2 semaphore(%run_scoped3A : memref<!tpu.dma_semaphore, #tpu.memory_space<semaphore_mem>>) src(%dma_wait3A_22 : memref<80x128xi32, #tpu.memory_space<hbm>>) dst(%arg6 : memref<80x128xi32, #tpu.memory_space<vmem>>)
      tpu.yield
    }) : () -> ()
    "tpu.region"() ({
      %run_scoped3A = tpu.sem_alloc : memref<!tpu.dma_semaphore, #tpu.memory_space<semaphore_mem>>
      tpu.enqueue_dma source(%arg3 : memref<128x16xf32, #tpu.memory_space<hbm>>) target(%arg7 : memref<128x16xf32, #tpu.memory_space<vmem>>) target_semaphore(%run_scoped3A : memref<!tpu.dma_semaphore, #tpu.memory_space<semaphore_mem>>)
      tpu.wait_dma2 semaphore(%run_scoped3A : memref<!tpu.dma_semaphore, #tpu.memory_space<semaphore_mem>>) src(%arg3 : memref<128x16xf32, #tpu.memory_space<hbm>>) dst(%arg7 : memref<128x16xf32, #tpu.memory_space<vmem>>)
      tpu.yield
    }) : () -> ()
    %barrier3A = arith.constant 0 : index
    tpu.barrier barrier_id(%barrier3A)
    %scan3A = arith.constant 0 : i32
    %scan3A_3 = arith.constant 0 : i32
    %scan3A_4 = arith.constant 40 : i32
    %scan3A_5 = arith.addi %scan3A_3, %scan3A_4 : i32
    %scan3A_6 = arith.constant 1 : i32
    scf.for %scan3A_9 = %scan3A_3 to %scan3A_5 step %scan3A_6  : i32 {
      %mul3A_10 = arith.constant 2 : i32
      %mul3A_11 = arith.muli %mul3A_10, %scan3A_9 : i32
      %dma_start3A = arith.constant 0 : i32
      %dma_start3A_12 = tpu.memref_slice %arg6[%mul3A_11, %dma_start3A] : memref<80x128xi32, #tpu.memory_space<vmem>> -> memref<1x128xi32, #tpu.memory_space<vmem>>
      %dma_start3A_13 = tpu.memref_squeeze %dma_start3A_12 : memref<1x128xi32, #tpu.memory_space<vmem>> -> memref<128xi32, #tpu.memory_space<vmem>>
      %dma_start3A_14 = arith.constant 0 : i32
      %dma_start3A_15 = arith.constant 0 : i32
      %dma_start3A_16 = tpu.memref_slice %arg8[%dma_start3A_14, %dma_start3A_15] : memref<10240x16xf32, #tpu.memory_space<vmem_shared>> -> memref<10240x16xf32, #tpu.memory_space<vmem_shared>>
      tpu.enqueue_indirect_dma source(%arg7 : memref<128x16xf32, #tpu.memory_space<vmem>>) target(%dma_start3A_16 : memref<10240x16xf32, #tpu.memory_space<vmem_shared>>) offsets(%dma_start3A_13 : memref<128xi32, #tpu.memory_space<vmem>>) semaphore(%arg9 : memref<!tpu.dma_semaphore, #tpu.memory_space<semaphore_mem>>) {add = true}
      %mul3A_17 = arith.constant 2 : i32
      %mul3A_18 = arith.muli %mul3A_17, %scan3A_9 : i32
      %add3A_19 = arith.constant 1 : i32
      %add3A_20 = arith.addi %mul3A_18, %add3A_19 : i32
      %dma_start3A_21 = arith.constant 0 : i32
      %dma_start3A_22 = tpu.memref_slice %arg6[%add3A_20, %dma_start3A_21] : memref<80x128xi32, #tpu.memory_space<vmem>> -> memref<1x128xi32, #tpu.memory_space<vmem>>
      %dma_start3A_23 = tpu.memref_squeeze %dma_start3A_22 : memref<1x128xi32, #tpu.memory_space<vmem>> -> memref<128xi32, #tpu.memory_space<vmem>>
      %dma_start3A_24 = arith.constant 0 : i32
      %dma_start3A_25 = arith.constant 0 : i32
      %dma_start3A_26 = tpu.memref_slice %arg8[%dma_start3A_24, %dma_start3A_25] : memref<10240x16xf32, #tpu.memory_space<vmem_shared>> -> memref<10240x16xf32, #tpu.memory_space<vmem_shared>>
      tpu.enqueue_indirect_dma source(%arg7 : memref<128x16xf32, #tpu.memory_space<vmem>>) target(%dma_start3A_26 : memref<10240x16xf32, #tpu.memory_space<vmem_shared>>) offsets(%dma_start3A_23 : memref<128xi32, #tpu.memory_space<vmem>>) semaphore(%arg10 : memref<!tpu.dma_semaphore, #tpu.memory_space<semaphore_mem>>) {add = true}
      %dma_wait3A = arith.constant 0 : i32
      %dma_wait3A_27 = tpu.memref_slice %arg6[%mul3A_11, %dma_wait3A] : memref<80x128xi32, #tpu.memory_space<vmem>> -> memref<1x128xi32, #tpu.memory_space<vmem>>
      %dma_wait3A_28 = tpu.memref_squeeze %dma_wait3A_27 : memref<1x128xi32, #tpu.memory_space<vmem>> -> memref<128xi32, #tpu.memory_space<vmem>>
      %dma_wait3A_29 = arith.constant 0 : i32
      %dma_wait3A_30 = arith.constant 0 : i32
      %dma_wait3A_31 = tpu.memref_slice %arg8[%dma_wait3A_29, %dma_wait3A_30] : memref<10240x16xf32, #tpu.memory_space<vmem_shared>> -> memref<10240x16xf32, #tpu.memory_space<vmem_shared>>
      tpu.wait_indirect_dma semaphore(%arg9 : memref<!tpu.dma_semaphore, #tpu.memory_space<semaphore_mem>>) src(%arg7 : memref<128x16xf32, #tpu.memory_space<vmem>>) dst(%dma_wait3A_31 : memref<10240x16xf32, #tpu.memory_space<vmem_shared>>)
      %dma_wait3A_32 = arith.constant 0 : i32
      %dma_wait3A_33 = tpu.memref_slice %arg6[%add3A_20, %dma_wait3A_32] : memref<80x128xi32, #tpu.memory_space<vmem>> -> memref<1x128xi32, #tpu.memory_space<vmem>>
      %dma_wait3A_34 = tpu.memref_squeeze %dma_wait3A_33 : memref<1x128xi32, #tpu.memory_space<vmem>> -> memref<128xi32, #tpu.memory_space<vmem>>
      %dma_wait3A_35 = arith.constant 0 : i32
      %dma_wait3A_36 = arith.constant 0 : i32
      %dma_wait3A_37 = tpu.memref_slice %arg8[%dma_wait3A_35, %dma_wait3A_36] : memref<10240x16xf32, #tpu.memory_space<vmem_shared>> -> memref<10240x16xf32, #tpu.memory_space<vmem_shared>>
      tpu.wait_indirect_dma semaphore(%arg10 : memref<!tpu.dma_semaphore, #tpu.memory_space<semaphore_mem>>) src(%arg7 : memref<128x16xf32, #tpu.memory_space<vmem>>) dst(%dma_wait3A_37 : memref<10240x16xf32, #tpu.memory_space<vmem_shared>>)
    }
    %scan3A_7 = arith.constant 40 : i32
    %barrier3A_8 = arith.constant 0 : index
    tpu.barrier barrier_id(%barrier3A_8)
    "tpu.region"() ({
      %run_scoped3A = tpu.sem_alloc : memref<!tpu.dma_semaphore, #tpu.memory_space<semaphore_mem>>
      %dma_start3A = arith.constant 0 : i32
      %dma_start3A_9 = arith.constant 0 : i32
      %dma_start3A_10 = tpu.memref_slice %arg5[%arg0, %dma_start3A, %dma_start3A_9] : memref<2x10240x16xf32, #tpu.memory_space<hbm>> -> memref<1x10240x16xf32, #tpu.memory_space<hbm>>
      %dma_start3A_11 = tpu.memref_squeeze %dma_start3A_10 : memref<1x10240x16xf32, #tpu.memory_space<hbm>> -> memref<10240x16xf32, #tpu.memory_space<hbm>>
      %dma_start3A_12 = arith.constant 0 : i32
      %dma_start3A_13 = tpu.memref_slice %dma_start3A_11[%mul3A_2, %dma_start3A_12] : memref<10240x16xf32, #tpu.memory_space<hbm>> -> memref<640x16xf32, #tpu.memory_space<hbm>>
      %dma_start3A_14 = arith.constant 0 : i32
      %dma_start3A_15 = tpu.memref_slice %arg8[%mul3A_2, %dma_start3A_14] : memref<10240x16xf32, #tpu.memory_space<vmem_shared>> -> memref<640x16xf32, #tpu.memory_space<vmem_shared>>
      tpu.enqueue_dma source(%dma_start3A_15 : memref<640x16xf32, #tpu.memory_space<vmem_shared>>) target(%dma_start3A_13 : memref<640x16xf32, #tpu.memory_space<hbm>>) target_semaphore(%run_scoped3A : memref<!tpu.dma_semaphore, #tpu.memory_space<semaphore_mem>>)
      %dma_wait3A = arith.constant 0 : i32
      %dma_wait3A_16 = arith.constant 0 : i32
      %dma_wait3A_17 = tpu.memref_slice %arg5[%arg0, %dma_wait3A, %dma_wait3A_16] : memref<2x10240x16xf32, #tpu.memory_space<hbm>> -> memref<1x10240x16xf32, #tpu.memory_space<hbm>>
      %dma_wait3A_18 = tpu.memref_squeeze %dma_wait3A_17 : memref<1x10240x16xf32, #tpu.memory_space<hbm>> -> memref<10240x16xf32, #tpu.memory_space<hbm>>
      %dma_wait3A_19 = arith.constant 0 : i32
      %dma_wait3A_20 = tpu.memref_slice %dma_wait3A_18[%mul3A_2, %dma_wait3A_19] : memref<10240x16xf32, #tpu.memory_space<hbm>> -> memref<640x16xf32, #tpu.memory_space<hbm>>
      %dma_wait3A_21 = arith.constant 0 : i32
      %dma_wait3A_22 = tpu.memref_slice %arg8[%mul3A_2, %dma_wait3A_21] : memref<10240x16xf32, #tpu.memory_space<vmem_shared>> -> memref<640x16xf32, #tpu.memory_space<vmem_shared>>
      tpu.wait_dma2 semaphore(%run_scoped3A : memref<!tpu.dma_semaphore, #tpu.memory_space<semaphore_mem>>) src(%dma_wait3A_22 : memref<640x16xf32, #tpu.memory_space<vmem_shared>>) dst(%dma_wait3A_20 : memref<640x16xf32, #tpu.memory_space<hbm>>)
      tpu.yield
    }) : () -> ()
    return
  }
}

#map = affine_map<(d0, d1) -> (0, 0)>
#map1 = affine_map<(d0, d1) -> (0, 0, 0)>
module attributes {stable_mosaic.version = 14 : i64} {
  func.func @edge_kernel(%arg0: i32, %arg1: i32, %arg2: memref<10240x128xbf16, #tpu.memory_space<hbm>>, %arg3: memref<32x80x128xi32, #tpu.memory_space<hbm>>, %arg4: memref<32x80x128xi32, #tpu.memory_space<hbm>>, %arg5: memref<10240x128xbf16, #tpu.memory_space<hbm>>, %arg6: memref<2x10240x128xbf16, #tpu.memory_space<hbm>>, %arg7: memref<80x128xi32, #tpu.memory_space<vmem>>, %arg8: memref<80x128xi32, #tpu.memory_space<vmem>>, %arg9: memref<128x128xbf16, #tpu.memory_space<vmem>>, %arg10: memref<128x128xbf16, #tpu.memory_space<vmem>>, %arg11: memref<10240x128xbf16, #tpu.memory_space<vmem_shared>>, %arg12: memref<10240x128xbf16, #tpu.memory_space<vmem_shared>>, %arg13: memref<!tpu.dma_semaphore, #tpu.memory_space<semaphore_mem>>, %arg14: memref<!tpu.dma_semaphore, #tpu.memory_space<semaphore_mem>>) attributes {dimension_semantics = [#tpu.dimension_semantics<core_parallel>, #tpu.dimension_semantics<subcore_parallel>], iteration_bounds = array<i64: 2, 16>, scalar_prefetch = 0 : i64, scratch_operands = 8 : i64, tpu.core_type = #tpu.core_type<sc_vector_subcore>, window_params = [{transform_indices = #map}, {transform_indices = #map1}, {transform_indices = #map1}, {transform_indices = #map}, {transform_indices = #map1}]} {
    %mul3A = arith.constant 2 : i32
    %mul3A_0 = arith.muli %arg1, %mul3A : i32
    %add3A = arith.addi %mul3A_0, %arg0 : i32
    %mul3A_1 = arith.constant 640 : i32
    %mul3A_2 = arith.muli %arg1, %mul3A_1 : i32
    "tpu.region"() ({
      %run_scoped3A_42 = tpu.sem_alloc : memref<!tpu.dma_semaphore, #tpu.memory_space<semaphore_mem>>
      %dma_start3A_43 = arith.constant 0 : i32
      %dma_start3A_44 = tpu.memref_slice %arg12[%mul3A_2, %dma_start3A_43] : memref<10240x128xbf16, #tpu.memory_space<vmem_shared>> -> memref<640x128xbf16, #tpu.memory_space<vmem_shared>>
      %dma_start3A_45 = arith.constant 0 : i32
      %dma_start3A_46 = tpu.memref_slice %arg2[%mul3A_2, %dma_start3A_45] : memref<10240x128xbf16, #tpu.memory_space<hbm>> -> memref<640x128xbf16, #tpu.memory_space<hbm>>
      tpu.enqueue_dma source(%dma_start3A_46 : memref<640x128xbf16, #tpu.memory_space<hbm>>) target(%dma_start3A_44 : memref<640x128xbf16, #tpu.memory_space<vmem_shared>>) target_semaphore(%run_scoped3A_42 : memref<!tpu.dma_semaphore, #tpu.memory_space<semaphore_mem>>)
      %dma_wait3A_47 = arith.constant 0 : i32
      %dma_wait3A_48 = tpu.memref_slice %arg12[%mul3A_2, %dma_wait3A_47] : memref<10240x128xbf16, #tpu.memory_space<vmem_shared>> -> memref<640x128xbf16, #tpu.memory_space<vmem_shared>>
      %dma_wait3A_49 = arith.constant 0 : i32
      %dma_wait3A_50 = tpu.memref_slice %arg2[%mul3A_2, %dma_wait3A_49] : memref<10240x128xbf16, #tpu.memory_space<hbm>> -> memref<640x128xbf16, #tpu.memory_space<hbm>>
      tpu.wait_dma2 semaphore(%run_scoped3A_42 : memref<!tpu.dma_semaphore, #tpu.memory_space<semaphore_mem>>) src(%dma_wait3A_50 : memref<640x128xbf16, #tpu.memory_space<hbm>>) dst(%dma_wait3A_48 : memref<640x128xbf16, #tpu.memory_space<vmem_shared>>)
      tpu.yield
    }) : () -> ()
    %eq3A = arith.constant 0 : i32
    %eq3A_3 = arith.cmpi eq, %arg0, %eq3A : i32
    %convert_element_type3A = arith.extui %eq3A_3 : i1 to i32
    %cond3A = arith.constant 0 : i32
    %cond3A_4 = arith.cmpi ne, %convert_element_type3A, %cond3A : i32
    scf.if %cond3A_4 {
      "tpu.region"() ({
        %run_scoped3A_42 = tpu.sem_alloc : memref<!tpu.dma_semaphore, #tpu.memory_space<semaphore_mem>>
        %dma_start3A_43 = arith.constant 0 : i32
        %dma_start3A_44 = tpu.memref_slice %arg11[%mul3A_2, %dma_start3A_43] : memref<10240x128xbf16, #tpu.memory_space<vmem_shared>> -> memref<640x128xbf16, #tpu.memory_space<vmem_shared>>
        %dma_start3A_45 = arith.constant 0 : i32
        %dma_start3A_46 = tpu.memref_slice %arg2[%mul3A_2, %dma_start3A_45] : memref<10240x128xbf16, #tpu.memory_space<hbm>> -> memref<640x128xbf16, #tpu.memory_space<hbm>>
        tpu.enqueue_dma source(%dma_start3A_46 : memref<640x128xbf16, #tpu.memory_space<hbm>>) target(%dma_start3A_44 : memref<640x128xbf16, #tpu.memory_space<vmem_shared>>) target_semaphore(%run_scoped3A_42 : memref<!tpu.dma_semaphore, #tpu.memory_space<semaphore_mem>>)
        %dma_wait3A_47 = arith.constant 0 : i32
        %dma_wait3A_48 = tpu.memref_slice %arg11[%mul3A_2, %dma_wait3A_47] : memref<10240x128xbf16, #tpu.memory_space<vmem_shared>> -> memref<640x128xbf16, #tpu.memory_space<vmem_shared>>
        %dma_wait3A_49 = arith.constant 0 : i32
        %dma_wait3A_50 = tpu.memref_slice %arg2[%mul3A_2, %dma_wait3A_49] : memref<10240x128xbf16, #tpu.memory_space<hbm>> -> memref<640x128xbf16, #tpu.memory_space<hbm>>
        tpu.wait_dma2 semaphore(%run_scoped3A_42 : memref<!tpu.dma_semaphore, #tpu.memory_space<semaphore_mem>>) src(%dma_wait3A_50 : memref<640x128xbf16, #tpu.memory_space<hbm>>) dst(%dma_wait3A_48 : memref<640x128xbf16, #tpu.memory_space<vmem_shared>>)
        tpu.yield
      }) : () -> ()
    } else {
    }
    %ne3A = arith.constant 0 : i32
    %ne3A_5 = arith.cmpi ne, %arg0, %ne3A : i32
    %convert_element_type3A_6 = arith.extui %ne3A_5 : i1 to i32
    %cond3A_7 = arith.constant 0 : i32
    %cond3A_8 = arith.cmpi ne, %convert_element_type3A_6, %cond3A_7 : i32
    scf.if %cond3A_8 {
      "tpu.region"() ({
        %run_scoped3A_42 = tpu.sem_alloc : memref<!tpu.dma_semaphore, #tpu.memory_space<semaphore_mem>>
        %dma_start3A_43 = arith.constant 0 : i32
        %dma_start3A_44 = tpu.memref_slice %arg11[%mul3A_2, %dma_start3A_43] : memref<10240x128xbf16, #tpu.memory_space<vmem_shared>> -> memref<640x128xbf16, #tpu.memory_space<vmem_shared>>
        %dma_start3A_45 = arith.constant 0 : i32
        %dma_start3A_46 = tpu.memref_slice %arg5[%mul3A_2, %dma_start3A_45] : memref<10240x128xbf16, #tpu.memory_space<hbm>> -> memref<640x128xbf16, #tpu.memory_space<hbm>>
        tpu.enqueue_dma source(%dma_start3A_46 : memref<640x128xbf16, #tpu.memory_space<hbm>>) target(%dma_start3A_44 : memref<640x128xbf16, #tpu.memory_space<vmem_shared>>) target_semaphore(%run_scoped3A_42 : memref<!tpu.dma_semaphore, #tpu.memory_space<semaphore_mem>>)
        %dma_wait3A_47 = arith.constant 0 : i32
        %dma_wait3A_48 = tpu.memref_slice %arg11[%mul3A_2, %dma_wait3A_47] : memref<10240x128xbf16, #tpu.memory_space<vmem_shared>> -> memref<640x128xbf16, #tpu.memory_space<vmem_shared>>
        %dma_wait3A_49 = arith.constant 0 : i32
        %dma_wait3A_50 = tpu.memref_slice %arg5[%mul3A_2, %dma_wait3A_49] : memref<10240x128xbf16, #tpu.memory_space<hbm>> -> memref<640x128xbf16, #tpu.memory_space<hbm>>
        tpu.wait_dma2 semaphore(%run_scoped3A_42 : memref<!tpu.dma_semaphore, #tpu.memory_space<semaphore_mem>>) src(%dma_wait3A_50 : memref<640x128xbf16, #tpu.memory_space<hbm>>) dst(%dma_wait3A_48 : memref<640x128xbf16, #tpu.memory_space<vmem_shared>>)
        tpu.yield
      }) : () -> ()
    } else {
    }
    "tpu.region"() ({
      %run_scoped3A_42 = tpu.sem_alloc : memref<!tpu.dma_semaphore, #tpu.memory_space<semaphore_mem>>
      %dma_start3A_43 = arith.constant 0 : i32
      %dma_start3A_44 = arith.constant 0 : i32
      %dma_start3A_45 = tpu.memref_slice %arg3[%add3A, %dma_start3A_43, %dma_start3A_44] : memref<32x80x128xi32, #tpu.memory_space<hbm>> -> memref<1x80x128xi32, #tpu.memory_space<hbm>>
      %dma_start3A_46 = tpu.memref_squeeze %dma_start3A_45 : memref<1x80x128xi32, #tpu.memory_space<hbm>> -> memref<80x128xi32, #tpu.memory_space<hbm>>
      %dma_start3A_47 = arith.constant 0 : i32
      %dma_start3A_48 = arith.constant 0 : i32
      %dma_start3A_49 = tpu.memref_slice %arg3[%add3A, %dma_start3A_47, %dma_start3A_48] : memref<32x80x128xi32, #tpu.memory_space<hbm>> -> memref<1x80x128xi32, #tpu.memory_space<hbm>>
      %dma_start3A_50 = tpu.memref_squeeze %dma_start3A_49 : memref<1x80x128xi32, #tpu.memory_space<hbm>> -> memref<80x128xi32, #tpu.memory_space<hbm>>
      tpu.enqueue_dma source(%dma_start3A_50 : memref<80x128xi32, #tpu.memory_space<hbm>>) target(%arg7 : memref<80x128xi32, #tpu.memory_space<vmem>>) target_semaphore(%run_scoped3A_42 : memref<!tpu.dma_semaphore, #tpu.memory_space<semaphore_mem>>)
      %dma_wait3A_51 = arith.constant 0 : i32
      %dma_wait3A_52 = arith.constant 0 : i32
      %dma_wait3A_53 = tpu.memref_slice %arg3[%add3A, %dma_wait3A_51, %dma_wait3A_52] : memref<32x80x128xi32, #tpu.memory_space<hbm>> -> memref<1x80x128xi32, #tpu.memory_space<hbm>>
      %dma_wait3A_54 = tpu.memref_squeeze %dma_wait3A_53 : memref<1x80x128xi32, #tpu.memory_space<hbm>> -> memref<80x128xi32, #tpu.memory_space<hbm>>
      %dma_wait3A_55 = arith.constant 0 : i32
      %dma_wait3A_56 = arith.constant 0 : i32
      %dma_wait3A_57 = tpu.memref_slice %arg3[%add3A, %dma_wait3A_55, %dma_wait3A_56] : memref<32x80x128xi32, #tpu.memory_space<hbm>> -> memref<1x80x128xi32, #tpu.memory_space<hbm>>
      %dma_wait3A_58 = tpu.memref_squeeze %dma_wait3A_57 : memref<1x80x128xi32, #tpu.memory_space<hbm>> -> memref<80x128xi32, #tpu.memory_space<hbm>>
      tpu.wait_dma2 semaphore(%run_scoped3A_42 : memref<!tpu.dma_semaphore, #tpu.memory_space<semaphore_mem>>) src(%dma_wait3A_58 : memref<80x128xi32, #tpu.memory_space<hbm>>) dst(%arg7 : memref<80x128xi32, #tpu.memory_space<vmem>>)
      tpu.yield
    }) : () -> ()
    "tpu.region"() ({
      %run_scoped3A_42 = tpu.sem_alloc : memref<!tpu.dma_semaphore, #tpu.memory_space<semaphore_mem>>
      %dma_start3A_43 = arith.constant 0 : i32
      %dma_start3A_44 = arith.constant 0 : i32
      %dma_start3A_45 = tpu.memref_slice %arg4[%add3A, %dma_start3A_43, %dma_start3A_44] : memref<32x80x128xi32, #tpu.memory_space<hbm>> -> memref<1x80x128xi32, #tpu.memory_space<hbm>>
      %dma_start3A_46 = tpu.memref_squeeze %dma_start3A_45 : memref<1x80x128xi32, #tpu.memory_space<hbm>> -> memref<80x128xi32, #tpu.memory_space<hbm>>
      %dma_start3A_47 = arith.constant 0 : i32
      %dma_start3A_48 = arith.constant 0 : i32
      %dma_start3A_49 = tpu.memref_slice %arg4[%add3A, %dma_start3A_47, %dma_start3A_48] : memref<32x80x128xi32, #tpu.memory_space<hbm>> -> memref<1x80x128xi32, #tpu.memory_space<hbm>>
      %dma_start3A_50 = tpu.memref_squeeze %dma_start3A_49 : memref<1x80x128xi32, #tpu.memory_space<hbm>> -> memref<80x128xi32, #tpu.memory_space<hbm>>
      tpu.enqueue_dma source(%dma_start3A_50 : memref<80x128xi32, #tpu.memory_space<hbm>>) target(%arg8 : memref<80x128xi32, #tpu.memory_space<vmem>>) target_semaphore(%run_scoped3A_42 : memref<!tpu.dma_semaphore, #tpu.memory_space<semaphore_mem>>)
      %dma_wait3A_51 = arith.constant 0 : i32
      %dma_wait3A_52 = arith.constant 0 : i32
      %dma_wait3A_53 = tpu.memref_slice %arg4[%add3A, %dma_wait3A_51, %dma_wait3A_52] : memref<32x80x128xi32, #tpu.memory_space<hbm>> -> memref<1x80x128xi32, #tpu.memory_space<hbm>>
      %dma_wait3A_54 = tpu.memref_squeeze %dma_wait3A_53 : memref<1x80x128xi32, #tpu.memory_space<hbm>> -> memref<80x128xi32, #tpu.memory_space<hbm>>
      %dma_wait3A_55 = arith.constant 0 : i32
      %dma_wait3A_56 = arith.constant 0 : i32
      %dma_wait3A_57 = tpu.memref_slice %arg4[%add3A, %dma_wait3A_55, %dma_wait3A_56] : memref<32x80x128xi32, #tpu.memory_space<hbm>> -> memref<1x80x128xi32, #tpu.memory_space<hbm>>
      %dma_wait3A_58 = tpu.memref_squeeze %dma_wait3A_57 : memref<1x80x128xi32, #tpu.memory_space<hbm>> -> memref<80x128xi32, #tpu.memory_space<hbm>>
      tpu.wait_dma2 semaphore(%run_scoped3A_42 : memref<!tpu.dma_semaphore, #tpu.memory_space<semaphore_mem>>) src(%dma_wait3A_58 : memref<80x128xi32, #tpu.memory_space<hbm>>) dst(%arg8 : memref<80x128xi32, #tpu.memory_space<vmem>>)
      tpu.yield
    }) : () -> ()
    %barrier3A = arith.constant 0 : index
    tpu.barrier barrier_id(%barrier3A)
    %dma_start3A = arith.constant 0 : i32
    %dma_start3A_9 = arith.constant 0 : i32
    %dma_start3A_10 = tpu.memref_slice %arg7[%dma_start3A, %dma_start3A_9] : memref<80x128xi32, #tpu.memory_space<vmem>> -> memref<1x128xi32, #tpu.memory_space<vmem>>
    %dma_start3A_11 = tpu.memref_squeeze %dma_start3A_10 : memref<1x128xi32, #tpu.memory_space<vmem>> -> memref<128xi32, #tpu.memory_space<vmem>>
    %dma_start3A_12 = arith.constant 0 : i32
    %dma_start3A_13 = arith.constant 0 : i32
    %dma_start3A_14 = tpu.memref_slice %arg12[%dma_start3A_12, %dma_start3A_13] : memref<10240x128xbf16, #tpu.memory_space<vmem_shared>> -> memref<10240x128xbf16, #tpu.memory_space<vmem_shared>>
    tpu.enqueue_indirect_dma source(%dma_start3A_14 : memref<10240x128xbf16, #tpu.memory_space<vmem_shared>>) target(%arg9 : memref<128x128xbf16, #tpu.memory_space<vmem>>) offsets(%dma_start3A_11 : memref<128xi32, #tpu.memory_space<vmem>>) semaphore(%arg13 : memref<!tpu.dma_semaphore, #tpu.memory_space<semaphore_mem>>)
    %dma_wait3A = arith.constant 0 : i32
    %dma_wait3A_15 = arith.constant 0 : i32
    %dma_wait3A_16 = tpu.memref_slice %arg7[%dma_wait3A, %dma_wait3A_15] : memref<80x128xi32, #tpu.memory_space<vmem>> -> memref<1x128xi32, #tpu.memory_space<vmem>>
    %dma_wait3A_17 = tpu.memref_squeeze %dma_wait3A_16 : memref<1x128xi32, #tpu.memory_space<vmem>> -> memref<128xi32, #tpu.memory_space<vmem>>
    %dma_wait3A_18 = arith.constant 0 : i32
    %dma_wait3A_19 = arith.constant 0 : i32
    %dma_wait3A_20 = tpu.memref_slice %arg12[%dma_wait3A_18, %dma_wait3A_19] : memref<10240x128xbf16, #tpu.memory_space<vmem_shared>> -> memref<10240x128xbf16, #tpu.memory_space<vmem_shared>>
    tpu.wait_indirect_dma semaphore(%arg13 : memref<!tpu.dma_semaphore, #tpu.memory_space<semaphore_mem>>) src(%dma_wait3A_20 : memref<10240x128xbf16, #tpu.memory_space<vmem_shared>>) dst(%arg9 : memref<128x128xbf16, #tpu.memory_space<vmem>>)
    %scan3A = arith.constant 0 : i32
    %scan3A_21 = arith.constant 0 : i32
    %scan3A_22 = arith.constant 39 : i32
    %scan3A_23 = arith.addi %scan3A_21, %scan3A_22 : i32
    %scan3A_24 = arith.constant 1 : i32
    scf.for %scan3A_42 = %scan3A_21 to %scan3A_23 step %scan3A_24  : i32 {
      %mul3A_43 = arith.constant 2 : i32
      %mul3A_44 = arith.muli %mul3A_43, %scan3A_42 : i32
      %mul3A_45 = arith.constant 2 : i32
      %mul3A_46 = arith.muli %mul3A_45, %scan3A_42 : i32
      %add3A_47 = arith.constant 1 : i32
      %add3A_48 = arith.addi %mul3A_46, %add3A_47 : i32
      %dma_start3A_49 = arith.constant 0 : i32
      %dma_start3A_50 = tpu.memref_slice %arg7[%add3A_48, %dma_start3A_49] : memref<80x128xi32, #tpu.memory_space<vmem>> -> memref<1x128xi32, #tpu.memory_space<vmem>>
      %dma_start3A_51 = tpu.memref_squeeze %dma_start3A_50 : memref<1x128xi32, #tpu.memory_space<vmem>> -> memref<128xi32, #tpu.memory_space<vmem>>
      %dma_start3A_52 = arith.constant 0 : i32
      %dma_start3A_53 = arith.constant 0 : i32
      %dma_start3A_54 = tpu.memref_slice %arg12[%dma_start3A_52, %dma_start3A_53] : memref<10240x128xbf16, #tpu.memory_space<vmem_shared>> -> memref<10240x128xbf16, #tpu.memory_space<vmem_shared>>
      tpu.enqueue_indirect_dma source(%dma_start3A_54 : memref<10240x128xbf16, #tpu.memory_space<vmem_shared>>) target(%arg10 : memref<128x128xbf16, #tpu.memory_space<vmem>>) offsets(%dma_start3A_51 : memref<128xi32, #tpu.memory_space<vmem>>) semaphore(%arg14 : memref<!tpu.dma_semaphore, #tpu.memory_space<semaphore_mem>>)
      "tpu.region"() ({
        %run_scoped3A_75 = tpu.sem_alloc : memref<!tpu.dma_semaphore, #tpu.memory_space<semaphore_mem>>
        %dma_start3A_76 = arith.constant 0 : i32
        %dma_start3A_77 = tpu.memref_slice %arg8[%mul3A_44, %dma_start3A_76] : memref<80x128xi32, #tpu.memory_space<vmem>> -> memref<1x128xi32, #tpu.memory_space<vmem>>
        %dma_start3A_78 = tpu.memref_squeeze %dma_start3A_77 : memref<1x128xi32, #tpu.memory_space<vmem>> -> memref<128xi32, #tpu.memory_space<vmem>>
        %dma_start3A_79 = arith.constant 0 : i32
        %dma_start3A_80 = arith.constant 0 : i32
        %dma_start3A_81 = tpu.memref_slice %arg11[%dma_start3A_79, %dma_start3A_80] : memref<10240x128xbf16, #tpu.memory_space<vmem_shared>> -> memref<10240x128xbf16, #tpu.memory_space<vmem_shared>>
        tpu.enqueue_indirect_dma source(%arg9 : memref<128x128xbf16, #tpu.memory_space<vmem>>) target(%dma_start3A_81 : memref<10240x128xbf16, #tpu.memory_space<vmem_shared>>) offsets(%dma_start3A_78 : memref<128xi32, #tpu.memory_space<vmem>>) semaphore(%run_scoped3A_75 : memref<!tpu.dma_semaphore, #tpu.memory_space<semaphore_mem>>) {add = true}
        %dma_wait3A_82 = arith.constant 0 : i32
        %dma_wait3A_83 = tpu.memref_slice %arg8[%mul3A_44, %dma_wait3A_82] : memref<80x128xi32, #tpu.memory_space<vmem>> -> memref<1x128xi32, #tpu.memory_space<vmem>>
        %dma_wait3A_84 = tpu.memref_squeeze %dma_wait3A_83 : memref<1x128xi32, #tpu.memory_space<vmem>> -> memref<128xi32, #tpu.memory_space<vmem>>
        %dma_wait3A_85 = arith.constant 0 : i32
        %dma_wait3A_86 = arith.constant 0 : i32
        %dma_wait3A_87 = tpu.memref_slice %arg11[%dma_wait3A_85, %dma_wait3A_86] : memref<10240x128xbf16, #tpu.memory_space<vmem_shared>> -> memref<10240x128xbf16, #tpu.memory_space<vmem_shared>>
        tpu.wait_indirect_dma semaphore(%run_scoped3A_75 : memref<!tpu.dma_semaphore, #tpu.memory_space<semaphore_mem>>) src(%arg9 : memref<128x128xbf16, #tpu.memory_space<vmem>>) dst(%dma_wait3A_87 : memref<10240x128xbf16, #tpu.memory_space<vmem_shared>>)
        tpu.yield
      }) : () -> ()
      %dma_wait3A_55 = arith.constant 0 : i32
      %dma_wait3A_56 = tpu.memref_slice %arg7[%add3A_48, %dma_wait3A_55] : memref<80x128xi32, #tpu.memory_space<vmem>> -> memref<1x128xi32, #tpu.memory_space<vmem>>
      %dma_wait3A_57 = tpu.memref_squeeze %dma_wait3A_56 : memref<1x128xi32, #tpu.memory_space<vmem>> -> memref<128xi32, #tpu.memory_space<vmem>>
      %dma_wait3A_58 = arith.constant 0 : i32
      %dma_wait3A_59 = arith.constant 0 : i32
      %dma_wait3A_60 = tpu.memref_slice %arg12[%dma_wait3A_58, %dma_wait3A_59] : memref<10240x128xbf16, #tpu.memory_space<vmem_shared>> -> memref<10240x128xbf16, #tpu.memory_space<vmem_shared>>
      tpu.wait_indirect_dma semaphore(%arg14 : memref<!tpu.dma_semaphore, #tpu.memory_space<semaphore_mem>>) src(%dma_wait3A_60 : memref<10240x128xbf16, #tpu.memory_space<vmem_shared>>) dst(%arg10 : memref<128x128xbf16, #tpu.memory_space<vmem>>)
      %add3A_61 = arith.constant 2 : i32
      %add3A_62 = arith.addi %mul3A_44, %add3A_61 : i32
      %dma_start3A_63 = arith.constant 0 : i32
      %dma_start3A_64 = tpu.memref_slice %arg7[%add3A_62, %dma_start3A_63] : memref<80x128xi32, #tpu.memory_space<vmem>> -> memref<1x128xi32, #tpu.memory_space<vmem>>
      %dma_start3A_65 = tpu.memref_squeeze %dma_start3A_64 : memref<1x128xi32, #tpu.memory_space<vmem>> -> memref<128xi32, #tpu.memory_space<vmem>>
      %dma_start3A_66 = arith.constant 0 : i32
      %dma_start3A_67 = arith.constant 0 : i32
      %dma_start3A_68 = tpu.memref_slice %arg12[%dma_start3A_66, %dma_start3A_67] : memref<10240x128xbf16, #tpu.memory_space<vmem_shared>> -> memref<10240x128xbf16, #tpu.memory_space<vmem_shared>>
      tpu.enqueue_indirect_dma source(%dma_start3A_68 : memref<10240x128xbf16, #tpu.memory_space<vmem_shared>>) target(%arg9 : memref<128x128xbf16, #tpu.memory_space<vmem>>) offsets(%dma_start3A_65 : memref<128xi32, #tpu.memory_space<vmem>>) semaphore(%arg13 : memref<!tpu.dma_semaphore, #tpu.memory_space<semaphore_mem>>)
      "tpu.region"() ({
        %run_scoped3A_75 = tpu.sem_alloc : memref<!tpu.dma_semaphore, #tpu.memory_space<semaphore_mem>>
        %dma_start3A_76 = arith.constant 0 : i32
        %dma_start3A_77 = tpu.memref_slice %arg8[%add3A_48, %dma_start3A_76] : memref<80x128xi32, #tpu.memory_space<vmem>> -> memref<1x128xi32, #tpu.memory_space<vmem>>
        %dma_start3A_78 = tpu.memref_squeeze %dma_start3A_77 : memref<1x128xi32, #tpu.memory_space<vmem>> -> memref<128xi32, #tpu.memory_space<vmem>>
        %dma_start3A_79 = arith.constant 0 : i32
        %dma_start3A_80 = arith.constant 0 : i32
        %dma_start3A_81 = tpu.memref_slice %arg11[%dma_start3A_79, %dma_start3A_80] : memref<10240x128xbf16, #tpu.memory_space<vmem_shared>> -> memref<10240x128xbf16, #tpu.memory_space<vmem_shared>>
        tpu.enqueue_indirect_dma source(%arg10 : memref<128x128xbf16, #tpu.memory_space<vmem>>) target(%dma_start3A_81 : memref<10240x128xbf16, #tpu.memory_space<vmem_shared>>) offsets(%dma_start3A_78 : memref<128xi32, #tpu.memory_space<vmem>>) semaphore(%run_scoped3A_75 : memref<!tpu.dma_semaphore, #tpu.memory_space<semaphore_mem>>) {add = true}
        %dma_wait3A_82 = arith.constant 0 : i32
        %dma_wait3A_83 = tpu.memref_slice %arg8[%add3A_48, %dma_wait3A_82] : memref<80x128xi32, #tpu.memory_space<vmem>> -> memref<1x128xi32, #tpu.memory_space<vmem>>
        %dma_wait3A_84 = tpu.memref_squeeze %dma_wait3A_83 : memref<1x128xi32, #tpu.memory_space<vmem>> -> memref<128xi32, #tpu.memory_space<vmem>>
        %dma_wait3A_85 = arith.constant 0 : i32
        %dma_wait3A_86 = arith.constant 0 : i32
        %dma_wait3A_87 = tpu.memref_slice %arg11[%dma_wait3A_85, %dma_wait3A_86] : memref<10240x128xbf16, #tpu.memory_space<vmem_shared>> -> memref<10240x128xbf16, #tpu.memory_space<vmem_shared>>
        tpu.wait_indirect_dma semaphore(%run_scoped3A_75 : memref<!tpu.dma_semaphore, #tpu.memory_space<semaphore_mem>>) src(%arg10 : memref<128x128xbf16, #tpu.memory_space<vmem>>) dst(%dma_wait3A_87 : memref<10240x128xbf16, #tpu.memory_space<vmem_shared>>)
        tpu.yield
      }) : () -> ()
      %dma_wait3A_69 = arith.constant 0 : i32
      %dma_wait3A_70 = tpu.memref_slice %arg7[%add3A_62, %dma_wait3A_69] : memref<80x128xi32, #tpu.memory_space<vmem>> -> memref<1x128xi32, #tpu.memory_space<vmem>>
      %dma_wait3A_71 = tpu.memref_squeeze %dma_wait3A_70 : memref<1x128xi32, #tpu.memory_space<vmem>> -> memref<128xi32, #tpu.memory_space<vmem>>
      %dma_wait3A_72 = arith.constant 0 : i32
      %dma_wait3A_73 = arith.constant 0 : i32
      %dma_wait3A_74 = tpu.memref_slice %arg12[%dma_wait3A_72, %dma_wait3A_73] : memref<10240x128xbf16, #tpu.memory_space<vmem_shared>> -> memref<10240x128xbf16, #tpu.memory_space<vmem_shared>>
      tpu.wait_indirect_dma semaphore(%arg13 : memref<!tpu.dma_semaphore, #tpu.memory_space<semaphore_mem>>) src(%dma_wait3A_74 : memref<10240x128xbf16, #tpu.memory_space<vmem_shared>>) dst(%arg9 : memref<128x128xbf16, #tpu.memory_space<vmem>>)
    }
    %scan3A_25 = arith.constant 39 : i32
    %dma_start3A_26 = arith.constant 79 : i32
    %dma_start3A_27 = arith.constant 0 : i32
    %dma_start3A_28 = tpu.memref_slice %arg7[%dma_start3A_26, %dma_start3A_27] : memref<80x128xi32, #tpu.memory_space<vmem>> -> memref<1x128xi32, #tpu.memory_space<vmem>>
    %dma_start3A_29 = tpu.memref_squeeze %dma_start3A_28 : memref<1x128xi32, #tpu.memory_space<vmem>> -> memref<128xi32, #tpu.memory_space<vmem>>
    %dma_start3A_30 = arith.constant 0 : i32
    %dma_start3A_31 = arith.constant 0 : i32
    %dma_start3A_32 = tpu.memref_slice %arg12[%dma_start3A_30, %dma_start3A_31] : memref<10240x128xbf16, #tpu.memory_space<vmem_shared>> -> memref<10240x128xbf16, #tpu.memory_space<vmem_shared>>
    tpu.enqueue_indirect_dma source(%dma_start3A_32 : memref<10240x128xbf16, #tpu.memory_space<vmem_shared>>) target(%arg10 : memref<128x128xbf16, #tpu.memory_space<vmem>>) offsets(%dma_start3A_29 : memref<128xi32, #tpu.memory_space<vmem>>) semaphore(%arg14 : memref<!tpu.dma_semaphore, #tpu.memory_space<semaphore_mem>>)
    %run_scoped3A = arith.constant 78 : i32
    "tpu.region"() ({
      %run_scoped3A_42 = tpu.sem_alloc : memref<!tpu.dma_semaphore, #tpu.memory_space<semaphore_mem>>
      %dma_start3A_43 = arith.constant 0 : i32
      %dma_start3A_44 = tpu.memref_slice %arg8[%run_scoped3A, %dma_start3A_43] : memref<80x128xi32, #tpu.memory_space<vmem>> -> memref<1x128xi32, #tpu.memory_space<vmem>>
      %dma_start3A_45 = tpu.memref_squeeze %dma_start3A_44 : memref<1x128xi32, #tpu.memory_space<vmem>> -> memref<128xi32, #tpu.memory_space<vmem>>
      %dma_start3A_46 = arith.constant 0 : i32
      %dma_start3A_47 = arith.constant 0 : i32
      %dma_start3A_48 = tpu.memref_slice %arg11[%dma_start3A_46, %dma_start3A_47] : memref<10240x128xbf16, #tpu.memory_space<vmem_shared>> -> memref<10240x128xbf16, #tpu.memory_space<vmem_shared>>
      tpu.enqueue_indirect_dma source(%arg9 : memref<128x128xbf16, #tpu.memory_space<vmem>>) target(%dma_start3A_48 : memref<10240x128xbf16, #tpu.memory_space<vmem_shared>>) offsets(%dma_start3A_45 : memref<128xi32, #tpu.memory_space<vmem>>) semaphore(%run_scoped3A_42 : memref<!tpu.dma_semaphore, #tpu.memory_space<semaphore_mem>>) {add = true}
      %dma_wait3A_49 = arith.constant 0 : i32
      %dma_wait3A_50 = tpu.memref_slice %arg8[%run_scoped3A, %dma_wait3A_49] : memref<80x128xi32, #tpu.memory_space<vmem>> -> memref<1x128xi32, #tpu.memory_space<vmem>>
      %dma_wait3A_51 = tpu.memref_squeeze %dma_wait3A_50 : memref<1x128xi32, #tpu.memory_space<vmem>> -> memref<128xi32, #tpu.memory_space<vmem>>
      %dma_wait3A_52 = arith.constant 0 : i32
      %dma_wait3A_53 = arith.constant 0 : i32
      %dma_wait3A_54 = tpu.memref_slice %arg11[%dma_wait3A_52, %dma_wait3A_53] : memref<10240x128xbf16, #tpu.memory_space<vmem_shared>> -> memref<10240x128xbf16, #tpu.memory_space<vmem_shared>>
      tpu.wait_indirect_dma semaphore(%run_scoped3A_42 : memref<!tpu.dma_semaphore, #tpu.memory_space<semaphore_mem>>) src(%arg9 : memref<128x128xbf16, #tpu.memory_space<vmem>>) dst(%dma_wait3A_54 : memref<10240x128xbf16, #tpu.memory_space<vmem_shared>>)
      tpu.yield
    }) : () -> ()
    %dma_wait3A_33 = arith.constant 79 : i32
    %dma_wait3A_34 = arith.constant 0 : i32
    %dma_wait3A_35 = tpu.memref_slice %arg7[%dma_wait3A_33, %dma_wait3A_34] : memref<80x128xi32, #tpu.memory_space<vmem>> -> memref<1x128xi32, #tpu.memory_space<vmem>>
    %dma_wait3A_36 = tpu.memref_squeeze %dma_wait3A_35 : memref<1x128xi32, #tpu.memory_space<vmem>> -> memref<128xi32, #tpu.memory_space<vmem>>
    %dma_wait3A_37 = arith.constant 0 : i32
    %dma_wait3A_38 = arith.constant 0 : i32
    %dma_wait3A_39 = tpu.memref_slice %arg12[%dma_wait3A_37, %dma_wait3A_38] : memref<10240x128xbf16, #tpu.memory_space<vmem_shared>> -> memref<10240x128xbf16, #tpu.memory_space<vmem_shared>>
    tpu.wait_indirect_dma semaphore(%arg14 : memref<!tpu.dma_semaphore, #tpu.memory_space<semaphore_mem>>) src(%dma_wait3A_39 : memref<10240x128xbf16, #tpu.memory_space<vmem_shared>>) dst(%arg10 : memref<128x128xbf16, #tpu.memory_space<vmem>>)
    %run_scoped3A_40 = arith.constant 79 : i32
    "tpu.region"() ({
      %run_scoped3A_42 = tpu.sem_alloc : memref<!tpu.dma_semaphore, #tpu.memory_space<semaphore_mem>>
      %dma_start3A_43 = arith.constant 0 : i32
      %dma_start3A_44 = tpu.memref_slice %arg8[%run_scoped3A_40, %dma_start3A_43] : memref<80x128xi32, #tpu.memory_space<vmem>> -> memref<1x128xi32, #tpu.memory_space<vmem>>
      %dma_start3A_45 = tpu.memref_squeeze %dma_start3A_44 : memref<1x128xi32, #tpu.memory_space<vmem>> -> memref<128xi32, #tpu.memory_space<vmem>>
      %dma_start3A_46 = arith.constant 0 : i32
      %dma_start3A_47 = arith.constant 0 : i32
      %dma_start3A_48 = tpu.memref_slice %arg11[%dma_start3A_46, %dma_start3A_47] : memref<10240x128xbf16, #tpu.memory_space<vmem_shared>> -> memref<10240x128xbf16, #tpu.memory_space<vmem_shared>>
      tpu.enqueue_indirect_dma source(%arg10 : memref<128x128xbf16, #tpu.memory_space<vmem>>) target(%dma_start3A_48 : memref<10240x128xbf16, #tpu.memory_space<vmem_shared>>) offsets(%dma_start3A_45 : memref<128xi32, #tpu.memory_space<vmem>>) semaphore(%run_scoped3A_42 : memref<!tpu.dma_semaphore, #tpu.memory_space<semaphore_mem>>) {add = true}
      %dma_wait3A_49 = arith.constant 0 : i32
      %dma_wait3A_50 = tpu.memref_slice %arg8[%run_scoped3A_40, %dma_wait3A_49] : memref<80x128xi32, #tpu.memory_space<vmem>> -> memref<1x128xi32, #tpu.memory_space<vmem>>
      %dma_wait3A_51 = tpu.memref_squeeze %dma_wait3A_50 : memref<1x128xi32, #tpu.memory_space<vmem>> -> memref<128xi32, #tpu.memory_space<vmem>>
      %dma_wait3A_52 = arith.constant 0 : i32
      %dma_wait3A_53 = arith.constant 0 : i32
      %dma_wait3A_54 = tpu.memref_slice %arg11[%dma_wait3A_52, %dma_wait3A_53] : memref<10240x128xbf16, #tpu.memory_space<vmem_shared>> -> memref<10240x128xbf16, #tpu.memory_space<vmem_shared>>
      tpu.wait_indirect_dma semaphore(%run_scoped3A_42 : memref<!tpu.dma_semaphore, #tpu.memory_space<semaphore_mem>>) src(%arg10 : memref<128x128xbf16, #tpu.memory_space<vmem>>) dst(%dma_wait3A_54 : memref<10240x128xbf16, #tpu.memory_space<vmem_shared>>)
      tpu.yield
    }) : () -> ()
    %barrier3A_41 = arith.constant 0 : index
    tpu.barrier barrier_id(%barrier3A_41)
    "tpu.region"() ({
      %run_scoped3A_42 = tpu.sem_alloc : memref<!tpu.dma_semaphore, #tpu.memory_space<semaphore_mem>>
      %dma_start3A_43 = arith.constant 0 : i32
      %dma_start3A_44 = arith.constant 0 : i32
      %dma_start3A_45 = tpu.memref_slice %arg6[%arg0, %dma_start3A_43, %dma_start3A_44] : memref<2x10240x128xbf16, #tpu.memory_space<hbm>> -> memref<1x10240x128xbf16, #tpu.memory_space<hbm>>
      %dma_start3A_46 = tpu.memref_squeeze %dma_start3A_45 : memref<1x10240x128xbf16, #tpu.memory_space<hbm>> -> memref<10240x128xbf16, #tpu.memory_space<hbm>>
      %dma_start3A_47 = arith.constant 0 : i32
      %dma_start3A_48 = tpu.memref_slice %dma_start3A_46[%mul3A_2, %dma_start3A_47] : memref<10240x128xbf16, #tpu.memory_space<hbm>> -> memref<640x128xbf16, #tpu.memory_space<hbm>>
      %dma_start3A_49 = arith.constant 0 : i32
      %dma_start3A_50 = tpu.memref_slice %arg11[%mul3A_2, %dma_start3A_49] : memref<10240x128xbf16, #tpu.memory_space<vmem_shared>> -> memref<640x128xbf16, #tpu.memory_space<vmem_shared>>
      tpu.enqueue_dma source(%dma_start3A_50 : memref<640x128xbf16, #tpu.memory_space<vmem_shared>>) target(%dma_start3A_48 : memref<640x128xbf16, #tpu.memory_space<hbm>>) target_semaphore(%run_scoped3A_42 : memref<!tpu.dma_semaphore, #tpu.memory_space<semaphore_mem>>)
      %dma_wait3A_51 = arith.constant 0 : i32
      %dma_wait3A_52 = arith.constant 0 : i32
      %dma_wait3A_53 = tpu.memref_slice %arg6[%arg0, %dma_wait3A_51, %dma_wait3A_52] : memref<2x10240x128xbf16, #tpu.memory_space<hbm>> -> memref<1x10240x128xbf16, #tpu.memory_space<hbm>>
      %dma_wait3A_54 = tpu.memref_squeeze %dma_wait3A_53 : memref<1x10240x128xbf16, #tpu.memory_space<hbm>> -> memref<10240x128xbf16, #tpu.memory_space<hbm>>
      %dma_wait3A_55 = arith.constant 0 : i32
      %dma_wait3A_56 = tpu.memref_slice %dma_wait3A_54[%mul3A_2, %dma_wait3A_55] : memref<10240x128xbf16, #tpu.memory_space<hbm>> -> memref<640x128xbf16, #tpu.memory_space<hbm>>
      %dma_wait3A_57 = arith.constant 0 : i32
      %dma_wait3A_58 = tpu.memref_slice %arg11[%mul3A_2, %dma_wait3A_57] : memref<10240x128xbf16, #tpu.memory_space<vmem_shared>> -> memref<640x128xbf16, #tpu.memory_space<vmem_shared>>
      tpu.wait_dma2 semaphore(%run_scoped3A_42 : memref<!tpu.dma_semaphore, #tpu.memory_space<semaphore_mem>>) src(%dma_wait3A_58 : memref<640x128xbf16, #tpu.memory_space<vmem_shared>>) dst(%dma_wait3A_56 : memref<640x128xbf16, #tpu.memory_space<hbm>>)
      tpu.yield
    }) : () -> ()
    return
  }
}

#map = affine_map<(d0, d1) -> (0, 0)>
#map1 = affine_map<(d0, d1) -> (0, 0, 0)>
module attributes {stable_mosaic.version = 14 : i64} {
  func.func @edge_kernel(%arg0: i32, %arg1: i32, %arg2: memref<10240x64xbf16, #tpu.memory_space<hbm>>, %arg3: memref<32x80x128xi32, #tpu.memory_space<hbm>>, %arg4: memref<32x80x128xi32, #tpu.memory_space<hbm>>, %arg5: memref<10240x64xbf16, #tpu.memory_space<hbm>>, %arg6: memref<2x10240x64xbf16, #tpu.memory_space<hbm>>, %arg7: memref<80x128xi32, #tpu.memory_space<vmem>>, %arg8: memref<80x128xi32, #tpu.memory_space<vmem>>, %arg9: memref<128x64xbf16, #tpu.memory_space<vmem>>, %arg10: memref<128x64xbf16, #tpu.memory_space<vmem>>, %arg11: memref<10240x64xbf16, #tpu.memory_space<vmem_shared>>, %arg12: memref<10240x64xbf16, #tpu.memory_space<vmem_shared>>, %arg13: memref<!tpu.dma_semaphore, #tpu.memory_space<semaphore_mem>>, %arg14: memref<!tpu.dma_semaphore, #tpu.memory_space<semaphore_mem>>) attributes {dimension_semantics = [#tpu.dimension_semantics<core_parallel>, #tpu.dimension_semantics<subcore_parallel>], iteration_bounds = array<i64: 2, 16>, scalar_prefetch = 0 : i64, scratch_operands = 8 : i64, tpu.core_type = #tpu.core_type<sc_vector_subcore>, window_params = [{transform_indices = #map}, {transform_indices = #map1}, {transform_indices = #map1}, {transform_indices = #map}, {transform_indices = #map1}]} {
    %mul3A = arith.constant 2 : i32
    %mul3A_0 = arith.muli %arg1, %mul3A : i32
    %add3A = arith.addi %mul3A_0, %arg0 : i32
    %mul3A_1 = arith.constant 640 : i32
    %mul3A_2 = arith.muli %arg1, %mul3A_1 : i32
    "tpu.region"() ({
      %run_scoped3A_42 = tpu.sem_alloc : memref<!tpu.dma_semaphore, #tpu.memory_space<semaphore_mem>>
      %dma_start3A_43 = arith.constant 0 : i32
      %dma_start3A_44 = tpu.memref_slice %arg12[%mul3A_2, %dma_start3A_43] : memref<10240x64xbf16, #tpu.memory_space<vmem_shared>> -> memref<640x64xbf16, #tpu.memory_space<vmem_shared>>
      %dma_start3A_45 = arith.constant 0 : i32
      %dma_start3A_46 = tpu.memref_slice %arg2[%mul3A_2, %dma_start3A_45] : memref<10240x64xbf16, #tpu.memory_space<hbm>> -> memref<640x64xbf16, #tpu.memory_space<hbm>>
      tpu.enqueue_dma source(%dma_start3A_46 : memref<640x64xbf16, #tpu.memory_space<hbm>>) target(%dma_start3A_44 : memref<640x64xbf16, #tpu.memory_space<vmem_shared>>) target_semaphore(%run_scoped3A_42 : memref<!tpu.dma_semaphore, #tpu.memory_space<semaphore_mem>>)
      %dma_wait3A_47 = arith.constant 0 : i32
      %dma_wait3A_48 = tpu.memref_slice %arg12[%mul3A_2, %dma_wait3A_47] : memref<10240x64xbf16, #tpu.memory_space<vmem_shared>> -> memref<640x64xbf16, #tpu.memory_space<vmem_shared>>
      %dma_wait3A_49 = arith.constant 0 : i32
      %dma_wait3A_50 = tpu.memref_slice %arg2[%mul3A_2, %dma_wait3A_49] : memref<10240x64xbf16, #tpu.memory_space<hbm>> -> memref<640x64xbf16, #tpu.memory_space<hbm>>
      tpu.wait_dma2 semaphore(%run_scoped3A_42 : memref<!tpu.dma_semaphore, #tpu.memory_space<semaphore_mem>>) src(%dma_wait3A_50 : memref<640x64xbf16, #tpu.memory_space<hbm>>) dst(%dma_wait3A_48 : memref<640x64xbf16, #tpu.memory_space<vmem_shared>>)
      tpu.yield
    }) : () -> ()
    %eq3A = arith.constant 0 : i32
    %eq3A_3 = arith.cmpi eq, %arg0, %eq3A : i32
    %convert_element_type3A = arith.extui %eq3A_3 : i1 to i32
    %cond3A = arith.constant 0 : i32
    %cond3A_4 = arith.cmpi ne, %convert_element_type3A, %cond3A : i32
    scf.if %cond3A_4 {
      "tpu.region"() ({
        %run_scoped3A_42 = tpu.sem_alloc : memref<!tpu.dma_semaphore, #tpu.memory_space<semaphore_mem>>
        %dma_start3A_43 = arith.constant 0 : i32
        %dma_start3A_44 = tpu.memref_slice %arg11[%mul3A_2, %dma_start3A_43] : memref<10240x64xbf16, #tpu.memory_space<vmem_shared>> -> memref<640x64xbf16, #tpu.memory_space<vmem_shared>>
        %dma_start3A_45 = arith.constant 0 : i32
        %dma_start3A_46 = tpu.memref_slice %arg2[%mul3A_2, %dma_start3A_45] : memref<10240x64xbf16, #tpu.memory_space<hbm>> -> memref<640x64xbf16, #tpu.memory_space<hbm>>
        tpu.enqueue_dma source(%dma_start3A_46 : memref<640x64xbf16, #tpu.memory_space<hbm>>) target(%dma_start3A_44 : memref<640x64xbf16, #tpu.memory_space<vmem_shared>>) target_semaphore(%run_scoped3A_42 : memref<!tpu.dma_semaphore, #tpu.memory_space<semaphore_mem>>)
        %dma_wait3A_47 = arith.constant 0 : i32
        %dma_wait3A_48 = tpu.memref_slice %arg11[%mul3A_2, %dma_wait3A_47] : memref<10240x64xbf16, #tpu.memory_space<vmem_shared>> -> memref<640x64xbf16, #tpu.memory_space<vmem_shared>>
        %dma_wait3A_49 = arith.constant 0 : i32
        %dma_wait3A_50 = tpu.memref_slice %arg2[%mul3A_2, %dma_wait3A_49] : memref<10240x64xbf16, #tpu.memory_space<hbm>> -> memref<640x64xbf16, #tpu.memory_space<hbm>>
        tpu.wait_dma2 semaphore(%run_scoped3A_42 : memref<!tpu.dma_semaphore, #tpu.memory_space<semaphore_mem>>) src(%dma_wait3A_50 : memref<640x64xbf16, #tpu.memory_space<hbm>>) dst(%dma_wait3A_48 : memref<640x64xbf16, #tpu.memory_space<vmem_shared>>)
        tpu.yield
      }) : () -> ()
    } else {
    }
    %ne3A = arith.constant 0 : i32
    %ne3A_5 = arith.cmpi ne, %arg0, %ne3A : i32
    %convert_element_type3A_6 = arith.extui %ne3A_5 : i1 to i32
    %cond3A_7 = arith.constant 0 : i32
    %cond3A_8 = arith.cmpi ne, %convert_element_type3A_6, %cond3A_7 : i32
    scf.if %cond3A_8 {
      "tpu.region"() ({
        %run_scoped3A_42 = tpu.sem_alloc : memref<!tpu.dma_semaphore, #tpu.memory_space<semaphore_mem>>
        %dma_start3A_43 = arith.constant 0 : i32
        %dma_start3A_44 = tpu.memref_slice %arg11[%mul3A_2, %dma_start3A_43] : memref<10240x64xbf16, #tpu.memory_space<vmem_shared>> -> memref<640x64xbf16, #tpu.memory_space<vmem_shared>>
        %dma_start3A_45 = arith.constant 0 : i32
        %dma_start3A_46 = tpu.memref_slice %arg5[%mul3A_2, %dma_start3A_45] : memref<10240x64xbf16, #tpu.memory_space<hbm>> -> memref<640x64xbf16, #tpu.memory_space<hbm>>
        tpu.enqueue_dma source(%dma_start3A_46 : memref<640x64xbf16, #tpu.memory_space<hbm>>) target(%dma_start3A_44 : memref<640x64xbf16, #tpu.memory_space<vmem_shared>>) target_semaphore(%run_scoped3A_42 : memref<!tpu.dma_semaphore, #tpu.memory_space<semaphore_mem>>)
        %dma_wait3A_47 = arith.constant 0 : i32
        %dma_wait3A_48 = tpu.memref_slice %arg11[%mul3A_2, %dma_wait3A_47] : memref<10240x64xbf16, #tpu.memory_space<vmem_shared>> -> memref<640x64xbf16, #tpu.memory_space<vmem_shared>>
        %dma_wait3A_49 = arith.constant 0 : i32
        %dma_wait3A_50 = tpu.memref_slice %arg5[%mul3A_2, %dma_wait3A_49] : memref<10240x64xbf16, #tpu.memory_space<hbm>> -> memref<640x64xbf16, #tpu.memory_space<hbm>>
        tpu.wait_dma2 semaphore(%run_scoped3A_42 : memref<!tpu.dma_semaphore, #tpu.memory_space<semaphore_mem>>) src(%dma_wait3A_50 : memref<640x64xbf16, #tpu.memory_space<hbm>>) dst(%dma_wait3A_48 : memref<640x64xbf16, #tpu.memory_space<vmem_shared>>)
        tpu.yield
      }) : () -> ()
    } else {
    }
    "tpu.region"() ({
      %run_scoped3A_42 = tpu.sem_alloc : memref<!tpu.dma_semaphore, #tpu.memory_space<semaphore_mem>>
      %dma_start3A_43 = arith.constant 0 : i32
      %dma_start3A_44 = arith.constant 0 : i32
      %dma_start3A_45 = tpu.memref_slice %arg3[%add3A, %dma_start3A_43, %dma_start3A_44] : memref<32x80x128xi32, #tpu.memory_space<hbm>> -> memref<1x80x128xi32, #tpu.memory_space<hbm>>
      %dma_start3A_46 = tpu.memref_squeeze %dma_start3A_45 : memref<1x80x128xi32, #tpu.memory_space<hbm>> -> memref<80x128xi32, #tpu.memory_space<hbm>>
      %dma_start3A_47 = arith.constant 0 : i32
      %dma_start3A_48 = arith.constant 0 : i32
      %dma_start3A_49 = tpu.memref_slice %arg3[%add3A, %dma_start3A_47, %dma_start3A_48] : memref<32x80x128xi32, #tpu.memory_space<hbm>> -> memref<1x80x128xi32, #tpu.memory_space<hbm>>
      %dma_start3A_50 = tpu.memref_squeeze %dma_start3A_49 : memref<1x80x128xi32, #tpu.memory_space<hbm>> -> memref<80x128xi32, #tpu.memory_space<hbm>>
      tpu.enqueue_dma source(%dma_start3A_50 : memref<80x128xi32, #tpu.memory_space<hbm>>) target(%arg7 : memref<80x128xi32, #tpu.memory_space<vmem>>) target_semaphore(%run_scoped3A_42 : memref<!tpu.dma_semaphore, #tpu.memory_space<semaphore_mem>>)
      %dma_wait3A_51 = arith.constant 0 : i32
      %dma_wait3A_52 = arith.constant 0 : i32
      %dma_wait3A_53 = tpu.memref_slice %arg3[%add3A, %dma_wait3A_51, %dma_wait3A_52] : memref<32x80x128xi32, #tpu.memory_space<hbm>> -> memref<1x80x128xi32, #tpu.memory_space<hbm>>
      %dma_wait3A_54 = tpu.memref_squeeze %dma_wait3A_53 : memref<1x80x128xi32, #tpu.memory_space<hbm>> -> memref<80x128xi32, #tpu.memory_space<hbm>>
      %dma_wait3A_55 = arith.constant 0 : i32
      %dma_wait3A_56 = arith.constant 0 : i32
      %dma_wait3A_57 = tpu.memref_slice %arg3[%add3A, %dma_wait3A_55, %dma_wait3A_56] : memref<32x80x128xi32, #tpu.memory_space<hbm>> -> memref<1x80x128xi32, #tpu.memory_space<hbm>>
      %dma_wait3A_58 = tpu.memref_squeeze %dma_wait3A_57 : memref<1x80x128xi32, #tpu.memory_space<hbm>> -> memref<80x128xi32, #tpu.memory_space<hbm>>
      tpu.wait_dma2 semaphore(%run_scoped3A_42 : memref<!tpu.dma_semaphore, #tpu.memory_space<semaphore_mem>>) src(%dma_wait3A_58 : memref<80x128xi32, #tpu.memory_space<hbm>>) dst(%arg7 : memref<80x128xi32, #tpu.memory_space<vmem>>)
      tpu.yield
    }) : () -> ()
    "tpu.region"() ({
      %run_scoped3A_42 = tpu.sem_alloc : memref<!tpu.dma_semaphore, #tpu.memory_space<semaphore_mem>>
      %dma_start3A_43 = arith.constant 0 : i32
      %dma_start3A_44 = arith.constant 0 : i32
      %dma_start3A_45 = tpu.memref_slice %arg4[%add3A, %dma_start3A_43, %dma_start3A_44] : memref<32x80x128xi32, #tpu.memory_space<hbm>> -> memref<1x80x128xi32, #tpu.memory_space<hbm>>
      %dma_start3A_46 = tpu.memref_squeeze %dma_start3A_45 : memref<1x80x128xi32, #tpu.memory_space<hbm>> -> memref<80x128xi32, #tpu.memory_space<hbm>>
      %dma_start3A_47 = arith.constant 0 : i32
      %dma_start3A_48 = arith.constant 0 : i32
      %dma_start3A_49 = tpu.memref_slice %arg4[%add3A, %dma_start3A_47, %dma_start3A_48] : memref<32x80x128xi32, #tpu.memory_space<hbm>> -> memref<1x80x128xi32, #tpu.memory_space<hbm>>
      %dma_start3A_50 = tpu.memref_squeeze %dma_start3A_49 : memref<1x80x128xi32, #tpu.memory_space<hbm>> -> memref<80x128xi32, #tpu.memory_space<hbm>>
      tpu.enqueue_dma source(%dma_start3A_50 : memref<80x128xi32, #tpu.memory_space<hbm>>) target(%arg8 : memref<80x128xi32, #tpu.memory_space<vmem>>) target_semaphore(%run_scoped3A_42 : memref<!tpu.dma_semaphore, #tpu.memory_space<semaphore_mem>>)
      %dma_wait3A_51 = arith.constant 0 : i32
      %dma_wait3A_52 = arith.constant 0 : i32
      %dma_wait3A_53 = tpu.memref_slice %arg4[%add3A, %dma_wait3A_51, %dma_wait3A_52] : memref<32x80x128xi32, #tpu.memory_space<hbm>> -> memref<1x80x128xi32, #tpu.memory_space<hbm>>
      %dma_wait3A_54 = tpu.memref_squeeze %dma_wait3A_53 : memref<1x80x128xi32, #tpu.memory_space<hbm>> -> memref<80x128xi32, #tpu.memory_space<hbm>>
      %dma_wait3A_55 = arith.constant 0 : i32
      %dma_wait3A_56 = arith.constant 0 : i32
      %dma_wait3A_57 = tpu.memref_slice %arg4[%add3A, %dma_wait3A_55, %dma_wait3A_56] : memref<32x80x128xi32, #tpu.memory_space<hbm>> -> memref<1x80x128xi32, #tpu.memory_space<hbm>>
      %dma_wait3A_58 = tpu.memref_squeeze %dma_wait3A_57 : memref<1x80x128xi32, #tpu.memory_space<hbm>> -> memref<80x128xi32, #tpu.memory_space<hbm>>
      tpu.wait_dma2 semaphore(%run_scoped3A_42 : memref<!tpu.dma_semaphore, #tpu.memory_space<semaphore_mem>>) src(%dma_wait3A_58 : memref<80x128xi32, #tpu.memory_space<hbm>>) dst(%arg8 : memref<80x128xi32, #tpu.memory_space<vmem>>)
      tpu.yield
    }) : () -> ()
    %barrier3A = arith.constant 0 : index
    tpu.barrier barrier_id(%barrier3A)
    %dma_start3A = arith.constant 0 : i32
    %dma_start3A_9 = arith.constant 0 : i32
    %dma_start3A_10 = tpu.memref_slice %arg7[%dma_start3A, %dma_start3A_9] : memref<80x128xi32, #tpu.memory_space<vmem>> -> memref<1x128xi32, #tpu.memory_space<vmem>>
    %dma_start3A_11 = tpu.memref_squeeze %dma_start3A_10 : memref<1x128xi32, #tpu.memory_space<vmem>> -> memref<128xi32, #tpu.memory_space<vmem>>
    %dma_start3A_12 = arith.constant 0 : i32
    %dma_start3A_13 = arith.constant 0 : i32
    %dma_start3A_14 = tpu.memref_slice %arg12[%dma_start3A_12, %dma_start3A_13] : memref<10240x64xbf16, #tpu.memory_space<vmem_shared>> -> memref<10240x64xbf16, #tpu.memory_space<vmem_shared>>
    tpu.enqueue_indirect_dma source(%dma_start3A_14 : memref<10240x64xbf16, #tpu.memory_space<vmem_shared>>) target(%arg9 : memref<128x64xbf16, #tpu.memory_space<vmem>>) offsets(%dma_start3A_11 : memref<128xi32, #tpu.memory_space<vmem>>) semaphore(%arg13 : memref<!tpu.dma_semaphore, #tpu.memory_space<semaphore_mem>>)
    %dma_wait3A = arith.constant 0 : i32
    %dma_wait3A_15 = arith.constant 0 : i32
    %dma_wait3A_16 = tpu.memref_slice %arg7[%dma_wait3A, %dma_wait3A_15] : memref<80x128xi32, #tpu.memory_space<vmem>> -> memref<1x128xi32, #tpu.memory_space<vmem>>
    %dma_wait3A_17 = tpu.memref_squeeze %dma_wait3A_16 : memref<1x128xi32, #tpu.memory_space<vmem>> -> memref<128xi32, #tpu.memory_space<vmem>>
    %dma_wait3A_18 = arith.constant 0 : i32
    %dma_wait3A_19 = arith.constant 0 : i32
    %dma_wait3A_20 = tpu.memref_slice %arg12[%dma_wait3A_18, %dma_wait3A_19] : memref<10240x64xbf16, #tpu.memory_space<vmem_shared>> -> memref<10240x64xbf16, #tpu.memory_space<vmem_shared>>
    tpu.wait_indirect_dma semaphore(%arg13 : memref<!tpu.dma_semaphore, #tpu.memory_space<semaphore_mem>>) src(%dma_wait3A_20 : memref<10240x64xbf16, #tpu.memory_space<vmem_shared>>) dst(%arg9 : memref<128x64xbf16, #tpu.memory_space<vmem>>)
    %scan3A = arith.constant 0 : i32
    %scan3A_21 = arith.constant 0 : i32
    %scan3A_22 = arith.constant 39 : i32
    %scan3A_23 = arith.addi %scan3A_21, %scan3A_22 : i32
    %scan3A_24 = arith.constant 1 : i32
    scf.for %scan3A_42 = %scan3A_21 to %scan3A_23 step %scan3A_24  : i32 {
      %mul3A_43 = arith.constant 2 : i32
      %mul3A_44 = arith.muli %mul3A_43, %scan3A_42 : i32
      %mul3A_45 = arith.constant 2 : i32
      %mul3A_46 = arith.muli %mul3A_45, %scan3A_42 : i32
      %add3A_47 = arith.constant 1 : i32
      %add3A_48 = arith.addi %mul3A_46, %add3A_47 : i32
      %dma_start3A_49 = arith.constant 0 : i32
      %dma_start3A_50 = tpu.memref_slice %arg7[%add3A_48, %dma_start3A_49] : memref<80x128xi32, #tpu.memory_space<vmem>> -> memref<1x128xi32, #tpu.memory_space<vmem>>
      %dma_start3A_51 = tpu.memref_squeeze %dma_start3A_50 : memref<1x128xi32, #tpu.memory_space<vmem>> -> memref<128xi32, #tpu.memory_space<vmem>>
      %dma_start3A_52 = arith.constant 0 : i32
      %dma_start3A_53 = arith.constant 0 : i32
      %dma_start3A_54 = tpu.memref_slice %arg12[%dma_start3A_52, %dma_start3A_53] : memref<10240x64xbf16, #tpu.memory_space<vmem_shared>> -> memref<10240x64xbf16, #tpu.memory_space<vmem_shared>>
      tpu.enqueue_indirect_dma source(%dma_start3A_54 : memref<10240x64xbf16, #tpu.memory_space<vmem_shared>>) target(%arg10 : memref<128x64xbf16, #tpu.memory_space<vmem>>) offsets(%dma_start3A_51 : memref<128xi32, #tpu.memory_space<vmem>>) semaphore(%arg14 : memref<!tpu.dma_semaphore, #tpu.memory_space<semaphore_mem>>)
      "tpu.region"() ({
        %run_scoped3A_75 = tpu.sem_alloc : memref<!tpu.dma_semaphore, #tpu.memory_space<semaphore_mem>>
        %dma_start3A_76 = arith.constant 0 : i32
        %dma_start3A_77 = tpu.memref_slice %arg8[%mul3A_44, %dma_start3A_76] : memref<80x128xi32, #tpu.memory_space<vmem>> -> memref<1x128xi32, #tpu.memory_space<vmem>>
        %dma_start3A_78 = tpu.memref_squeeze %dma_start3A_77 : memref<1x128xi32, #tpu.memory_space<vmem>> -> memref<128xi32, #tpu.memory_space<vmem>>
        %dma_start3A_79 = arith.constant 0 : i32
        %dma_start3A_80 = arith.constant 0 : i32
        %dma_start3A_81 = tpu.memref_slice %arg11[%dma_start3A_79, %dma_start3A_80] : memref<10240x64xbf16, #tpu.memory_space<vmem_shared>> -> memref<10240x64xbf16, #tpu.memory_space<vmem_shared>>
        tpu.enqueue_indirect_dma source(%arg9 : memref<128x64xbf16, #tpu.memory_space<vmem>>) target(%dma_start3A_81 : memref<10240x64xbf16, #tpu.memory_space<vmem_shared>>) offsets(%dma_start3A_78 : memref<128xi32, #tpu.memory_space<vmem>>) semaphore(%run_scoped3A_75 : memref<!tpu.dma_semaphore, #tpu.memory_space<semaphore_mem>>) {add = true}
        %dma_wait3A_82 = arith.constant 0 : i32
        %dma_wait3A_83 = tpu.memref_slice %arg8[%mul3A_44, %dma_wait3A_82] : memref<80x128xi32, #tpu.memory_space<vmem>> -> memref<1x128xi32, #tpu.memory_space<vmem>>
        %dma_wait3A_84 = tpu.memref_squeeze %dma_wait3A_83 : memref<1x128xi32, #tpu.memory_space<vmem>> -> memref<128xi32, #tpu.memory_space<vmem>>
        %dma_wait3A_85 = arith.constant 0 : i32
        %dma_wait3A_86 = arith.constant 0 : i32
        %dma_wait3A_87 = tpu.memref_slice %arg11[%dma_wait3A_85, %dma_wait3A_86] : memref<10240x64xbf16, #tpu.memory_space<vmem_shared>> -> memref<10240x64xbf16, #tpu.memory_space<vmem_shared>>
        tpu.wait_indirect_dma semaphore(%run_scoped3A_75 : memref<!tpu.dma_semaphore, #tpu.memory_space<semaphore_mem>>) src(%arg9 : memref<128x64xbf16, #tpu.memory_space<vmem>>) dst(%dma_wait3A_87 : memref<10240x64xbf16, #tpu.memory_space<vmem_shared>>)
        tpu.yield
      }) : () -> ()
      %dma_wait3A_55 = arith.constant 0 : i32
      %dma_wait3A_56 = tpu.memref_slice %arg7[%add3A_48, %dma_wait3A_55] : memref<80x128xi32, #tpu.memory_space<vmem>> -> memref<1x128xi32, #tpu.memory_space<vmem>>
      %dma_wait3A_57 = tpu.memref_squeeze %dma_wait3A_56 : memref<1x128xi32, #tpu.memory_space<vmem>> -> memref<128xi32, #tpu.memory_space<vmem>>
      %dma_wait3A_58 = arith.constant 0 : i32
      %dma_wait3A_59 = arith.constant 0 : i32
      %dma_wait3A_60 = tpu.memref_slice %arg12[%dma_wait3A_58, %dma_wait3A_59] : memref<10240x64xbf16, #tpu.memory_space<vmem_shared>> -> memref<10240x64xbf16, #tpu.memory_space<vmem_shared>>
      tpu.wait_indirect_dma semaphore(%arg14 : memref<!tpu.dma_semaphore, #tpu.memory_space<semaphore_mem>>) src(%dma_wait3A_60 : memref<10240x64xbf16, #tpu.memory_space<vmem_shared>>) dst(%arg10 : memref<128x64xbf16, #tpu.memory_space<vmem>>)
      %add3A_61 = arith.constant 2 : i32
      %add3A_62 = arith.addi %mul3A_44, %add3A_61 : i32
      %dma_start3A_63 = arith.constant 0 : i32
      %dma_start3A_64 = tpu.memref_slice %arg7[%add3A_62, %dma_start3A_63] : memref<80x128xi32, #tpu.memory_space<vmem>> -> memref<1x128xi32, #tpu.memory_space<vmem>>
      %dma_start3A_65 = tpu.memref_squeeze %dma_start3A_64 : memref<1x128xi32, #tpu.memory_space<vmem>> -> memref<128xi32, #tpu.memory_space<vmem>>
      %dma_start3A_66 = arith.constant 0 : i32
      %dma_start3A_67 = arith.constant 0 : i32
      %dma_start3A_68 = tpu.memref_slice %arg12[%dma_start3A_66, %dma_start3A_67] : memref<10240x64xbf16, #tpu.memory_space<vmem_shared>> -> memref<10240x64xbf16, #tpu.memory_space<vmem_shared>>
      tpu.enqueue_indirect_dma source(%dma_start3A_68 : memref<10240x64xbf16, #tpu.memory_space<vmem_shared>>) target(%arg9 : memref<128x64xbf16, #tpu.memory_space<vmem>>) offsets(%dma_start3A_65 : memref<128xi32, #tpu.memory_space<vmem>>) semaphore(%arg13 : memref<!tpu.dma_semaphore, #tpu.memory_space<semaphore_mem>>)
      "tpu.region"() ({
        %run_scoped3A_75 = tpu.sem_alloc : memref<!tpu.dma_semaphore, #tpu.memory_space<semaphore_mem>>
        %dma_start3A_76 = arith.constant 0 : i32
        %dma_start3A_77 = tpu.memref_slice %arg8[%add3A_48, %dma_start3A_76] : memref<80x128xi32, #tpu.memory_space<vmem>> -> memref<1x128xi32, #tpu.memory_space<vmem>>
        %dma_start3A_78 = tpu.memref_squeeze %dma_start3A_77 : memref<1x128xi32, #tpu.memory_space<vmem>> -> memref<128xi32, #tpu.memory_space<vmem>>
        %dma_start3A_79 = arith.constant 0 : i32
        %dma_start3A_80 = arith.constant 0 : i32
        %dma_start3A_81 = tpu.memref_slice %arg11[%dma_start3A_79, %dma_start3A_80] : memref<10240x64xbf16, #tpu.memory_space<vmem_shared>> -> memref<10240x64xbf16, #tpu.memory_space<vmem_shared>>
        tpu.enqueue_indirect_dma source(%arg10 : memref<128x64xbf16, #tpu.memory_space<vmem>>) target(%dma_start3A_81 : memref<10240x64xbf16, #tpu.memory_space<vmem_shared>>) offsets(%dma_start3A_78 : memref<128xi32, #tpu.memory_space<vmem>>) semaphore(%run_scoped3A_75 : memref<!tpu.dma_semaphore, #tpu.memory_space<semaphore_mem>>) {add = true}
        %dma_wait3A_82 = arith.constant 0 : i32
        %dma_wait3A_83 = tpu.memref_slice %arg8[%add3A_48, %dma_wait3A_82] : memref<80x128xi32, #tpu.memory_space<vmem>> -> memref<1x128xi32, #tpu.memory_space<vmem>>
        %dma_wait3A_84 = tpu.memref_squeeze %dma_wait3A_83 : memref<1x128xi32, #tpu.memory_space<vmem>> -> memref<128xi32, #tpu.memory_space<vmem>>
        %dma_wait3A_85 = arith.constant 0 : i32
        %dma_wait3A_86 = arith.constant 0 : i32
        %dma_wait3A_87 = tpu.memref_slice %arg11[%dma_wait3A_85, %dma_wait3A_86] : memref<10240x64xbf16, #tpu.memory_space<vmem_shared>> -> memref<10240x64xbf16, #tpu.memory_space<vmem_shared>>
        tpu.wait_indirect_dma semaphore(%run_scoped3A_75 : memref<!tpu.dma_semaphore, #tpu.memory_space<semaphore_mem>>) src(%arg10 : memref<128x64xbf16, #tpu.memory_space<vmem>>) dst(%dma_wait3A_87 : memref<10240x64xbf16, #tpu.memory_space<vmem_shared>>)
        tpu.yield
      }) : () -> ()
      %dma_wait3A_69 = arith.constant 0 : i32
      %dma_wait3A_70 = tpu.memref_slice %arg7[%add3A_62, %dma_wait3A_69] : memref<80x128xi32, #tpu.memory_space<vmem>> -> memref<1x128xi32, #tpu.memory_space<vmem>>
      %dma_wait3A_71 = tpu.memref_squeeze %dma_wait3A_70 : memref<1x128xi32, #tpu.memory_space<vmem>> -> memref<128xi32, #tpu.memory_space<vmem>>
      %dma_wait3A_72 = arith.constant 0 : i32
      %dma_wait3A_73 = arith.constant 0 : i32
      %dma_wait3A_74 = tpu.memref_slice %arg12[%dma_wait3A_72, %dma_wait3A_73] : memref<10240x64xbf16, #tpu.memory_space<vmem_shared>> -> memref<10240x64xbf16, #tpu.memory_space<vmem_shared>>
      tpu.wait_indirect_dma semaphore(%arg13 : memref<!tpu.dma_semaphore, #tpu.memory_space<semaphore_mem>>) src(%dma_wait3A_74 : memref<10240x64xbf16, #tpu.memory_space<vmem_shared>>) dst(%arg9 : memref<128x64xbf16, #tpu.memory_space<vmem>>)
    }
    %scan3A_25 = arith.constant 39 : i32
    %dma_start3A_26 = arith.constant 79 : i32
    %dma_start3A_27 = arith.constant 0 : i32
    %dma_start3A_28 = tpu.memref_slice %arg7[%dma_start3A_26, %dma_start3A_27] : memref<80x128xi32, #tpu.memory_space<vmem>> -> memref<1x128xi32, #tpu.memory_space<vmem>>
    %dma_start3A_29 = tpu.memref_squeeze %dma_start3A_28 : memref<1x128xi32, #tpu.memory_space<vmem>> -> memref<128xi32, #tpu.memory_space<vmem>>
    %dma_start3A_30 = arith.constant 0 : i32
    %dma_start3A_31 = arith.constant 0 : i32
    %dma_start3A_32 = tpu.memref_slice %arg12[%dma_start3A_30, %dma_start3A_31] : memref<10240x64xbf16, #tpu.memory_space<vmem_shared>> -> memref<10240x64xbf16, #tpu.memory_space<vmem_shared>>
    tpu.enqueue_indirect_dma source(%dma_start3A_32 : memref<10240x64xbf16, #tpu.memory_space<vmem_shared>>) target(%arg10 : memref<128x64xbf16, #tpu.memory_space<vmem>>) offsets(%dma_start3A_29 : memref<128xi32, #tpu.memory_space<vmem>>) semaphore(%arg14 : memref<!tpu.dma_semaphore, #tpu.memory_space<semaphore_mem>>)
    %run_scoped3A = arith.constant 78 : i32
    "tpu.region"() ({
      %run_scoped3A_42 = tpu.sem_alloc : memref<!tpu.dma_semaphore, #tpu.memory_space<semaphore_mem>>
      %dma_start3A_43 = arith.constant 0 : i32
      %dma_start3A_44 = tpu.memref_slice %arg8[%run_scoped3A, %dma_start3A_43] : memref<80x128xi32, #tpu.memory_space<vmem>> -> memref<1x128xi32, #tpu.memory_space<vmem>>
      %dma_start3A_45 = tpu.memref_squeeze %dma_start3A_44 : memref<1x128xi32, #tpu.memory_space<vmem>> -> memref<128xi32, #tpu.memory_space<vmem>>
      %dma_start3A_46 = arith.constant 0 : i32
      %dma_start3A_47 = arith.constant 0 : i32
      %dma_start3A_48 = tpu.memref_slice %arg11[%dma_start3A_46, %dma_start3A_47] : memref<10240x64xbf16, #tpu.memory_space<vmem_shared>> -> memref<10240x64xbf16, #tpu.memory_space<vmem_shared>>
      tpu.enqueue_indirect_dma source(%arg9 : memref<128x64xbf16, #tpu.memory_space<vmem>>) target(%dma_start3A_48 : memref<10240x64xbf16, #tpu.memory_space<vmem_shared>>) offsets(%dma_start3A_45 : memref<128xi32, #tpu.memory_space<vmem>>) semaphore(%run_scoped3A_42 : memref<!tpu.dma_semaphore, #tpu.memory_space<semaphore_mem>>) {add = true}
      %dma_wait3A_49 = arith.constant 0 : i32
      %dma_wait3A_50 = tpu.memref_slice %arg8[%run_scoped3A, %dma_wait3A_49] : memref<80x128xi32, #tpu.memory_space<vmem>> -> memref<1x128xi32, #tpu.memory_space<vmem>>
      %dma_wait3A_51 = tpu.memref_squeeze %dma_wait3A_50 : memref<1x128xi32, #tpu.memory_space<vmem>> -> memref<128xi32, #tpu.memory_space<vmem>>
      %dma_wait3A_52 = arith.constant 0 : i32
      %dma_wait3A_53 = arith.constant 0 : i32
      %dma_wait3A_54 = tpu.memref_slice %arg11[%dma_wait3A_52, %dma_wait3A_53] : memref<10240x64xbf16, #tpu.memory_space<vmem_shared>> -> memref<10240x64xbf16, #tpu.memory_space<vmem_shared>>
      tpu.wait_indirect_dma semaphore(%run_scoped3A_42 : memref<!tpu.dma_semaphore, #tpu.memory_space<semaphore_mem>>) src(%arg9 : memref<128x64xbf16, #tpu.memory_space<vmem>>) dst(%dma_wait3A_54 : memref<10240x64xbf16, #tpu.memory_space<vmem_shared>>)
      tpu.yield
    }) : () -> ()
    %dma_wait3A_33 = arith.constant 79 : i32
    %dma_wait3A_34 = arith.constant 0 : i32
    %dma_wait3A_35 = tpu.memref_slice %arg7[%dma_wait3A_33, %dma_wait3A_34] : memref<80x128xi32, #tpu.memory_space<vmem>> -> memref<1x128xi32, #tpu.memory_space<vmem>>
    %dma_wait3A_36 = tpu.memref_squeeze %dma_wait3A_35 : memref<1x128xi32, #tpu.memory_space<vmem>> -> memref<128xi32, #tpu.memory_space<vmem>>
    %dma_wait3A_37 = arith.constant 0 : i32
    %dma_wait3A_38 = arith.constant 0 : i32
    %dma_wait3A_39 = tpu.memref_slice %arg12[%dma_wait3A_37, %dma_wait3A_38] : memref<10240x64xbf16, #tpu.memory_space<vmem_shared>> -> memref<10240x64xbf16, #tpu.memory_space<vmem_shared>>
    tpu.wait_indirect_dma semaphore(%arg14 : memref<!tpu.dma_semaphore, #tpu.memory_space<semaphore_mem>>) src(%dma_wait3A_39 : memref<10240x64xbf16, #tpu.memory_space<vmem_shared>>) dst(%arg10 : memref<128x64xbf16, #tpu.memory_space<vmem>>)
    %run_scoped3A_40 = arith.constant 79 : i32
    "tpu.region"() ({
      %run_scoped3A_42 = tpu.sem_alloc : memref<!tpu.dma_semaphore, #tpu.memory_space<semaphore_mem>>
      %dma_start3A_43 = arith.constant 0 : i32
      %dma_start3A_44 = tpu.memref_slice %arg8[%run_scoped3A_40, %dma_start3A_43] : memref<80x128xi32, #tpu.memory_space<vmem>> -> memref<1x128xi32, #tpu.memory_space<vmem>>
      %dma_start3A_45 = tpu.memref_squeeze %dma_start3A_44 : memref<1x128xi32, #tpu.memory_space<vmem>> -> memref<128xi32, #tpu.memory_space<vmem>>
      %dma_start3A_46 = arith.constant 0 : i32
      %dma_start3A_47 = arith.constant 0 : i32
      %dma_start3A_48 = tpu.memref_slice %arg11[%dma_start3A_46, %dma_start3A_47] : memref<10240x64xbf16, #tpu.memory_space<vmem_shared>> -> memref<10240x64xbf16, #tpu.memory_space<vmem_shared>>
      tpu.enqueue_indirect_dma source(%arg10 : memref<128x64xbf16, #tpu.memory_space<vmem>>) target(%dma_start3A_48 : memref<10240x64xbf16, #tpu.memory_space<vmem_shared>>) offsets(%dma_start3A_45 : memref<128xi32, #tpu.memory_space<vmem>>) semaphore(%run_scoped3A_42 : memref<!tpu.dma_semaphore, #tpu.memory_space<semaphore_mem>>) {add = true}
      %dma_wait3A_49 = arith.constant 0 : i32
      %dma_wait3A_50 = tpu.memref_slice %arg8[%run_scoped3A_40, %dma_wait3A_49] : memref<80x128xi32, #tpu.memory_space<vmem>> -> memref<1x128xi32, #tpu.memory_space<vmem>>
      %dma_wait3A_51 = tpu.memref_squeeze %dma_wait3A_50 : memref<1x128xi32, #tpu.memory_space<vmem>> -> memref<128xi32, #tpu.memory_space<vmem>>
      %dma_wait3A_52 = arith.constant 0 : i32
      %dma_wait3A_53 = arith.constant 0 : i32
      %dma_wait3A_54 = tpu.memref_slice %arg11[%dma_wait3A_52, %dma_wait3A_53] : memref<10240x64xbf16, #tpu.memory_space<vmem_shared>> -> memref<10240x64xbf16, #tpu.memory_space<vmem_shared>>
      tpu.wait_indirect_dma semaphore(%run_scoped3A_42 : memref<!tpu.dma_semaphore, #tpu.memory_space<semaphore_mem>>) src(%arg10 : memref<128x64xbf16, #tpu.memory_space<vmem>>) dst(%dma_wait3A_54 : memref<10240x64xbf16, #tpu.memory_space<vmem_shared>>)
      tpu.yield
    }) : () -> ()
    %barrier3A_41 = arith.constant 0 : index
    tpu.barrier barrier_id(%barrier3A_41)
    "tpu.region"() ({
      %run_scoped3A_42 = tpu.sem_alloc : memref<!tpu.dma_semaphore, #tpu.memory_space<semaphore_mem>>
      %dma_start3A_43 = arith.constant 0 : i32
      %dma_start3A_44 = arith.constant 0 : i32
      %dma_start3A_45 = tpu.memref_slice %arg6[%arg0, %dma_start3A_43, %dma_start3A_44] : memref<2x10240x64xbf16, #tpu.memory_space<hbm>> -> memref<1x10240x64xbf16, #tpu.memory_space<hbm>>
      %dma_start3A_46 = tpu.memref_squeeze %dma_start3A_45 : memref<1x10240x64xbf16, #tpu.memory_space<hbm>> -> memref<10240x64xbf16, #tpu.memory_space<hbm>>
      %dma_start3A_47 = arith.constant 0 : i32
      %dma_start3A_48 = tpu.memref_slice %dma_start3A_46[%mul3A_2, %dma_start3A_47] : memref<10240x64xbf16, #tpu.memory_space<hbm>> -> memref<640x64xbf16, #tpu.memory_space<hbm>>
      %dma_start3A_49 = arith.constant 0 : i32
      %dma_start3A_50 = tpu.memref_slice %arg11[%mul3A_2, %dma_start3A_49] : memref<10240x64xbf16, #tpu.memory_space<vmem_shared>> -> memref<640x64xbf16, #tpu.memory_space<vmem_shared>>
      tpu.enqueue_dma source(%dma_start3A_50 : memref<640x64xbf16, #tpu.memory_space<vmem_shared>>) target(%dma_start3A_48 : memref<640x64xbf16, #tpu.memory_space<hbm>>) target_semaphore(%run_scoped3A_42 : memref<!tpu.dma_semaphore, #tpu.memory_space<semaphore_mem>>)
      %dma_wait3A_51 = arith.constant 0 : i32
      %dma_wait3A_52 = arith.constant 0 : i32
      %dma_wait3A_53 = tpu.memref_slice %arg6[%arg0, %dma_wait3A_51, %dma_wait3A_52] : memref<2x10240x64xbf16, #tpu.memory_space<hbm>> -> memref<1x10240x64xbf16, #tpu.memory_space<hbm>>
      %dma_wait3A_54 = tpu.memref_squeeze %dma_wait3A_53 : memref<1x10240x64xbf16, #tpu.memory_space<hbm>> -> memref<10240x64xbf16, #tpu.memory_space<hbm>>
      %dma_wait3A_55 = arith.constant 0 : i32
      %dma_wait3A_56 = tpu.memref_slice %dma_wait3A_54[%mul3A_2, %dma_wait3A_55] : memref<10240x64xbf16, #tpu.memory_space<hbm>> -> memref<640x64xbf16, #tpu.memory_space<hbm>>
      %dma_wait3A_57 = arith.constant 0 : i32
      %dma_wait3A_58 = tpu.memref_slice %arg11[%mul3A_2, %dma_wait3A_57] : memref<10240x64xbf16, #tpu.memory_space<vmem_shared>> -> memref<640x64xbf16, #tpu.memory_space<vmem_shared>>
      tpu.wait_dma2 semaphore(%run_scoped3A_42 : memref<!tpu.dma_semaphore, #tpu.memory_space<semaphore_mem>>) src(%dma_wait3A_58 : memref<640x64xbf16, #tpu.memory_space<vmem_shared>>) dst(%dma_wait3A_56 : memref<640x64xbf16, #tpu.memory_space<hbm>>)
      tpu.yield
    }) : () -> ()
    return
  }
}

module attributes {stable_mosaic.version = 14 : i64} {
  func.func @_mm1_body(%arg0: i32, %arg1: memref<1280x128xf32, #tpu.memory_space<vmem>>, %arg2: memref<128x128xf32, #tpu.memory_space<vmem>>, %arg3: memref<1280x16xf32, #tpu.memory_space<vmem>>, %arg4: memref<1280x16xf32, #tpu.memory_space<vmem>>, %arg5: memref<1280x128xbf16, #tpu.memory_space<vmem>>) attributes {dimension_semantics = [#tpu.dimension_semantics<arbitrary>], iteration_bounds = array<i64: 8>, scalar_prefetch = 0 : i64, scratch_operands = 0 : i64, tpu.core_type = #tpu.core_type<tc>, window_params = [{transform_indices = @transform_0, window_bounds = array<i64: 1280, 128>}, {pipeline_mode = #tpu.pipeline_mode<synchronous>, transform_indices = @transform_1, window_bounds = array<i64: 128, 128>}, {transform_indices = @transform_2, window_bounds = array<i64: 1280, 16>}, {transform_indices = @transform_3, window_bounds = array<i64: 1280, 16>}, {transform_indices = @transform_4, window_bounds = array<i64: 1280, 128>}]} {
    %get3A = arith.constant 0 : index
    %get3A_0 = arith.constant 0 : index
    %get3A_1 = vector.load %arg3[%get3A, %get3A_0] : memref<1280x16xf32, #tpu.memory_space<vmem>>, vector<1280x16xf32>
    %get3A_2 = arith.constant 0 : index
    %get3A_3 = arith.constant 0 : index
    %get3A_4 = vector.load %arg4[%get3A_2, %get3A_3] : memref<1280x16xf32, #tpu.memory_space<vmem>>, vector<1280x16xf32>
    %slice3A = vector.extract_strided_slice %get3A_1 {offsets = [0, 0], sizes = [1280, 1], strides = [1, 1]} : vector<1280x16xf32> to vector<1280x1xf32>
    %slice3A_5 = vector.extract_strided_slice %get3A_4 {offsets = [0, 0], sizes = [1280, 1], strides = [1, 1]} : vector<1280x16xf32> to vector<1280x1xf32>
    %add3A = arith.addf %slice3A, %slice3A_5 : vector<1280x1xf32>
    %add3A_6 = arith.constant 1.000000e+00 : f32
    %add3A_7 = vector.broadcast %add3A_6 : f32 to vector<1280x1xf32>
    %add3A_8 = arith.addf %add3A, %add3A_7 : vector<1280x1xf32>
    %rsqrt3A = math.rsqrt %add3A_8 : vector<1280x1xf32>
    %get3A_9 = arith.constant 0 : index
    %get3A_10 = arith.constant 0 : index
    %get3A_11 = vector.load %arg1[%get3A_9, %get3A_10] : memref<1280x128xf32, #tpu.memory_space<vmem>>, vector<1280x128xf32>
    %get3A_12 = arith.constant 0 : index
    %get3A_13 = arith.constant 0 : index
    %get3A_14 = vector.load %arg2[%get3A_12, %get3A_13] : memref<128x128xf32, #tpu.memory_space<vmem>>, vector<128x128xf32>
    %dot_general3A = arith.constant dense<0.000000e+00> : vector<1280x128xf32>
    %dot_general3A_15 = tpu.matmul %get3A_11, %get3A_14, %dot_general3A {dimension_numbers = #tpu.dot_dimension_numbers<[1], [0], [0], [1], [0, 0, 1, 1], [], []>, transpose_lhs_hint = false} : vector<1280x128xf32>, vector<128x128xf32>, vector<1280x128xf32> -> vector<1280x128xf32>
    %mul3A = vector.broadcast %rsqrt3A : vector<1280x1xf32> to vector<1280x128xf32>
    %mul3A_16 = arith.mulf %dot_general3A_15, %mul3A : vector<1280x128xf32>
    %convert_element_type3A = arith.truncf %mul3A_16 : vector<1280x128xf32> to vector<1280x128xbf16>
    %swap3A = arith.constant 0 : index
    %swap3A_17 = arith.constant 0 : index
    %swap3A_18 = vector.load %arg5[%swap3A, %swap3A_17] : memref<1280x128xbf16, #tpu.memory_space<vmem>>, vector<1280x128xbf16>
    tpu.vector_store %arg5[%swap3A, %swap3A_17], %convert_element_type3A {strides = array<i32>} : memref<1280x128xbf16, #tpu.memory_space<vmem>>, vector<1280x128xbf16>,
    return
  }
  func.func @transform_0(%arg0: i32) -> (i32, i32) {
    %c0_i32 = arith.constant 0 : i32
    %c0_i32_0 = arith.constant 0 : i32
    return %arg0, %c0_i32 : i32, i32
  }
  func.func @transform_1(%arg0: i32) -> (i32, i32) {
    %c0_i32 = arith.constant 0 : i32
    %c0_i32_0 = arith.constant 0 : i32
    %c0_i32_1 = arith.constant 0 : i32
    return %c0_i32, %c0_i32_0 : i32, i32
  }
  func.func @transform_2(%arg0: i32) -> (i32, i32) {
    %c0_i32 = arith.constant 0 : i32
    %c0_i32_0 = arith.constant 0 : i32
    return %arg0, %c0_i32 : i32, i32
  }
  func.func @transform_3(%arg0: i32) -> (i32, i32) {
    %c0_i32 = arith.constant 0 : i32
    %c0_i32_0 = arith.constant 0 : i32
    return %arg0, %c0_i32 : i32, i32
  }
  func.func @transform_4(%arg0: i32) -> (i32, i32) {
    %c0_i32 = arith.constant 0 : i32
    %c0_i32_0 = arith.constant 0 : i32
    return %arg0, %c0_i32 : i32, i32
  }
}

module attributes {stable_mosaic.version = 14 : i64} {
  func.func @_combine_mm2_body(%arg0: i32, %arg1: memref<1280x128xbf16, #tpu.memory_space<vmem>>, %arg2: memref<1280x128xbf16, #tpu.memory_space<vmem>>, %arg3: memref<1280x16xf32, #tpu.memory_space<vmem>>, %arg4: memref<1280x16xf32, #tpu.memory_space<vmem>>, %arg5: memref<1x128xf32, #tpu.memory_space<vmem>>, %arg6: memref<128x64xf32, #tpu.memory_space<vmem>>, %arg7: memref<1280x64xbf16, #tpu.memory_space<vmem>>) attributes {dimension_semantics = [#tpu.dimension_semantics<arbitrary>], iteration_bounds = array<i64: 8>, scalar_prefetch = 0 : i64, scratch_operands = 0 : i64, tpu.core_type = #tpu.core_type<tc>, window_params = [{transform_indices = @transform_0, window_bounds = array<i64: 1280, 128>}, {transform_indices = @transform_1, window_bounds = array<i64: 1280, 128>}, {transform_indices = @transform_2, window_bounds = array<i64: 1280, 16>}, {transform_indices = @transform_3, window_bounds = array<i64: 1280, 16>}, {pipeline_mode = #tpu.pipeline_mode<synchronous>, transform_indices = @transform_4, window_bounds = array<i64: 1, 128>}, {pipeline_mode = #tpu.pipeline_mode<synchronous>, transform_indices = @transform_5, window_bounds = array<i64: 128, 64>}, {transform_indices = @transform_6, window_bounds = array<i64: 1280, 64>}]} {
    %get3A = arith.constant 0 : index
    %get3A_0 = arith.constant 0 : index
    %get3A_1 = vector.load %arg3[%get3A, %get3A_0] : memref<1280x16xf32, #tpu.memory_space<vmem>>, vector<1280x16xf32>
    %get3A_2 = arith.constant 0 : index
    %get3A_3 = arith.constant 0 : index
    %get3A_4 = vector.load %arg4[%get3A_2, %get3A_3] : memref<1280x16xf32, #tpu.memory_space<vmem>>, vector<1280x16xf32>
    %slice3A = vector.extract_strided_slice %get3A_1 {offsets = [0, 0], sizes = [1280, 1], strides = [1, 1]} : vector<1280x16xf32> to vector<1280x1xf32>
    %slice3A_5 = vector.extract_strided_slice %get3A_4 {offsets = [0, 0], sizes = [1280, 1], strides = [1, 1]} : vector<1280x16xf32> to vector<1280x1xf32>
    %add3A = arith.addf %slice3A, %slice3A_5 : vector<1280x1xf32>
    %add3A_6 = arith.constant 1.000000e+00 : f32
    %add3A_7 = vector.broadcast %add3A_6 : f32 to vector<1280x1xf32>
    %add3A_8 = arith.addf %add3A, %add3A_7 : vector<1280x1xf32>
    %rsqrt3A = math.rsqrt %add3A_8 : vector<1280x1xf32>
    %get3A_9 = arith.constant 0 : index
    %get3A_10 = arith.constant 0 : index
    %get3A_11 = vector.load %arg1[%get3A_9, %get3A_10] : memref<1280x128xbf16, #tpu.memory_space<vmem>>, vector<1280x128xbf16>
    %convert_element_type3A = arith.extf %get3A_11 : vector<1280x128xbf16> to vector<1280x128xf32>
    %get3A_12 = arith.constant 0 : index
    %get3A_13 = arith.constant 0 : index
    %get3A_14 = vector.load %arg2[%get3A_12, %get3A_13] : memref<1280x128xbf16, #tpu.memory_space<vmem>>, vector<1280x128xbf16>
    %convert_element_type3A_15 = arith.extf %get3A_14 : vector<1280x128xbf16> to vector<1280x128xf32>
    %add3A_16 = arith.addf %convert_element_type3A, %convert_element_type3A_15 : vector<1280x128xf32>
    %mul3A = vector.broadcast %rsqrt3A : vector<1280x1xf32> to vector<1280x128xf32>
    %mul3A_17 = arith.mulf %add3A_16, %mul3A : vector<1280x128xf32>
    %get3A_18 = arith.constant 0 : index
    %get3A_19 = arith.constant 0 : index
    %get3A_20 = vector.load %arg5[%get3A_18, %get3A_19] : memref<1x128xf32, #tpu.memory_space<vmem>>, vector<1x128xf32>
    %add3A_21 = vector.broadcast %get3A_20 : vector<1x128xf32> to vector<1280x128xf32>
    %add3A_22 = arith.addf %mul3A_17, %add3A_21 : vector<1280x128xf32>
    %max3A = arith.constant 0.000000e+00 : f32
    %max3A_23 = vector.broadcast %max3A : f32 to vector<1280x128xf32>
    %max3A_24 = arith.maximumf %add3A_22, %max3A_23 : vector<1280x128xf32>
    %get3A_25 = arith.constant 0 : index
    %get3A_26 = arith.constant 0 : index
    %get3A_27 = vector.load %arg6[%get3A_25, %get3A_26] : memref<128x64xf32, #tpu.memory_space<vmem>>, vector<128x64xf32>
    %dot_general3A = arith.constant dense<0.000000e+00> : vector<1280x64xf32>
    %dot_general3A_28 = tpu.matmul %max3A_24, %get3A_27, %dot_general3A {dimension_numbers = #tpu.dot_dimension_numbers<[1], [0], [0], [1], [0, 0, 1, 1], [], []>, transpose_lhs_hint = false} : vector<1280x128xf32>, vector<128x64xf32>, vector<1280x64xf32> -> vector<1280x64xf32>
    %mul3A_29 = vector.broadcast %rsqrt3A : vector<1280x1xf32> to vector<1280x64xf32>
    %mul3A_30 = arith.mulf %dot_general3A_28, %mul3A_29 : vector<1280x64xf32>
    %convert_element_type3A_31 = arith.truncf %mul3A_30 : vector<1280x64xf32> to vector<1280x64xbf16>
    %swap3A = arith.constant 0 : index
    %swap3A_32 = arith.constant 0 : index
    %swap3A_33 = vector.load %arg7[%swap3A, %swap3A_32] : memref<1280x64xbf16, #tpu.memory_space<vmem>>, vector<1280x64xbf16>
    tpu.vector_store %arg7[%swap3A, %swap3A_32], %convert_element_type3A_31 {strides = array<i32>} : memref<1280x64xbf16, #tpu.memory_space<vmem>>, vector<1280x64xbf16>,
    return
  }
  func.func @transform_0(%arg0: i32) -> (i32, i32) {
    %c0_i32 = arith.constant 0 : i32
    %c0_i32_0 = arith.constant 0 : i32
    return %arg0, %c0_i32 : i32, i32
  }
  func.func @transform_1(%arg0: i32) -> (i32, i32) {
    %c0_i32 = arith.constant 0 : i32
    %c0_i32_0 = arith.constant 0 : i32
    return %arg0, %c0_i32 : i32, i32
  }
  func.func @transform_2(%arg0: i32) -> (i32, i32) {
    %c0_i32 = arith.constant 0 : i32
    %c0_i32_0 = arith.constant 0 : i32
    return %arg0, %c0_i32 : i32, i32
  }
  func.func @transform_3(%arg0: i32) -> (i32, i32) {
    %c0_i32 = arith.constant 0 : i32
    %c0_i32_0 = arith.constant 0 : i32
    return %arg0, %c0_i32 : i32, i32
  }
  func.func @transform_4(%arg0: i32) -> (i32, i32) {
    %c0_i32 = arith.constant 0 : i32
    %c0_i32_0 = arith.constant 0 : i32
    %c0_i32_1 = arith.constant 0 : i32
    return %c0_i32, %c0_i32_0 : i32, i32
  }
  func.func @transform_5(%arg0: i32) -> (i32, i32) {
    %c0_i32 = arith.constant 0 : i32
    %c0_i32_0 = arith.constant 0 : i32
    %c0_i32_1 = arith.constant 0 : i32
    return %c0_i32, %c0_i32_0 : i32, i32
  }
  func.func @transform_6(%arg0: i32) -> (i32, i32) {
    %c0_i32 = arith.constant 0 : i32
    %c0_i32_0 = arith.constant 0 : i32
    return %arg0, %c0_i32 : i32, i32
  }
}

module attributes {stable_mosaic.version = 14 : i64} {
  func.func @_pool_head_body(%arg0: i32, %arg1: memref<1280x64xbf16, #tpu.memory_space<vmem>>, %arg2: memref<1280x64xbf16, #tpu.memory_space<vmem>>, %arg3: memref<1280x16xf32, #tpu.memory_space<vmem>>, %arg4: memref<1280x16xf32, #tpu.memory_space<vmem>>, %arg5: memref<1x64xf32, #tpu.memory_space<vmem>>, %arg6: memref<64x64xf32, #tpu.memory_space<vmem>>, %arg7: memref<1x64xf32, #tpu.memory_space<vmem>>, %arg8: memref<64x18xf32, #tpu.memory_space<vmem>>, %arg9: memref<1x18xf32, #tpu.memory_space<vmem>>, %arg10: memref<1x18xf32, #tpu.memory_space<vmem>>, %arg11: memref<1x64xf32, #tpu.memory_space<vmem>>) attributes {dimension_semantics = [#tpu.dimension_semantics<arbitrary>], iteration_bounds = array<i64: 8>, scalar_prefetch = 0 : i64, scratch_operands = 1 : i64, tpu.core_type = #tpu.core_type<tc>, window_params = [{transform_indices = @transform_0, window_bounds = array<i64: 1280, 64>}, {transform_indices = @transform_1, window_bounds = array<i64: 1280, 64>}, {transform_indices = @transform_2, window_bounds = array<i64: 1280, 16>}, {transform_indices = @transform_3, window_bounds = array<i64: 1280, 16>}, {pipeline_mode = #tpu.pipeline_mode<synchronous>, transform_indices = @transform_4, window_bounds = array<i64: 1, 64>}, {pipeline_mode = #tpu.pipeline_mode<synchronous>, transform_indices = @transform_5, window_bounds = array<i64: 64, 64>}, {pipeline_mode = #tpu.pipeline_mode<synchronous>, transform_indices = @transform_6, window_bounds = array<i64: 1, 64>}, {pipeline_mode = #tpu.pipeline_mode<synchronous>, transform_indices = @transform_7, window_bounds = array<i64: 64, 18>}, {pipeline_mode = #tpu.pipeline_mode<synchronous>, transform_indices = @transform_8, window_bounds = array<i64: 1, 18>}, {pipeline_mode = #tpu.pipeline_mode<synchronous>, transform_indices = @transform_9, window_bounds = array<i64: 1, 18>}]} {
    %get3A = arith.constant 0 : index
    %get3A_0 = arith.constant 0 : index
    %get3A_1 = vector.load %arg3[%get3A, %get3A_0] : memref<1280x16xf32, #tpu.memory_space<vmem>>, vector<1280x16xf32>
    %get3A_2 = arith.constant 0 : index
    %get3A_3 = arith.constant 0 : index
    %get3A_4 = vector.load %arg4[%get3A_2, %get3A_3] : memref<1280x16xf32, #tpu.memory_space<vmem>>, vector<1280x16xf32>
    %slice3A = vector.extract_strided_slice %get3A_1 {offsets = [0, 0], sizes = [1280, 1], strides = [1, 1]} : vector<1280x16xf32> to vector<1280x1xf32>
    %slice3A_5 = vector.extract_strided_slice %get3A_4 {offsets = [0, 0], sizes = [1280, 1], strides = [1, 1]} : vector<1280x16xf32> to vector<1280x1xf32>
    %add3A = arith.addf %slice3A, %slice3A_5 : vector<1280x1xf32>
    %add3A_6 = arith.constant 1.000000e+00 : f32
    %add3A_7 = vector.broadcast %add3A_6 : f32 to vector<1280x1xf32>
    %add3A_8 = arith.addf %add3A, %add3A_7 : vector<1280x1xf32>
    %rsqrt3A = math.rsqrt %add3A_8 : vector<1280x1xf32>
    %get3A_9 = arith.constant 0 : index
    %get3A_10 = arith.constant 0 : index
    %get3A_11 = vector.load %arg1[%get3A_9, %get3A_10] : memref<1280x64xbf16, #tpu.memory_space<vmem>>, vector<1280x64xbf16>
    %convert_element_type3A = arith.extf %get3A_11 : vector<1280x64xbf16> to vector<1280x64xf32>
    %get3A_12 = arith.constant 0 : index
    %get3A_13 = arith.constant 0 : index
    %get3A_14 = vector.load %arg2[%get3A_12, %get3A_13] : memref<1280x64xbf16, #tpu.memory_space<vmem>>, vector<1280x64xbf16>
    %convert_element_type3A_15 = arith.extf %get3A_14 : vector<1280x64xbf16> to vector<1280x64xf32>
    %add3A_16 = arith.addf %convert_element_type3A, %convert_element_type3A_15 : vector<1280x64xf32>
    %mul3A = vector.broadcast %rsqrt3A : vector<1280x1xf32> to vector<1280x64xf32>
    %mul3A_17 = arith.mulf %add3A_16, %mul3A : vector<1280x64xf32>
    %get3A_18 = arith.constant 0 : index
    %get3A_19 = arith.constant 0 : index
    %get3A_20 = vector.load %arg5[%get3A_18, %get3A_19] : memref<1x64xf32, #tpu.memory_space<vmem>>, vector<1x64xf32>
    %add3A_21 = vector.broadcast %get3A_20 : vector<1x64xf32> to vector<1280x64xf32>
    %add3A_22 = arith.addf %mul3A_17, %add3A_21 : vector<1280x64xf32>
    %max3A = arith.constant 0.000000e+00 : f32
    %max3A_23 = vector.broadcast %max3A : f32 to vector<1280x64xf32>
    %max3A_24 = arith.maximumf %add3A_22, %max3A_23 : vector<1280x64xf32>
    %mul3A_25 = arith.constant 1280 : i32
    %mul3A_26 = arith.muli %arg0, %mul3A_25 : i32
    %iota3A = tpu.iota {dimensions = array<i32: 0>} : vector<1280x64xi32>
    %add3A_27 = vector.broadcast %mul3A_26 : i32 to vector<1280x64xi32>
    %add3A_28 = arith.addi %add3A_27, %iota3A : vector<1280x64xi32>
    %lt3A = arith.constant 10000 : i32
    %lt3A_29 = vector.broadcast %lt3A : i32 to vector<1280x64xi32>
    %lt3A_30 = arith.cmpi slt, %add3A_28, %lt3A_29 : vector<1280x64xi32>
    %jit3A = arith.constant 0.000000e+00 : f32
    %broadcast_in_dim3A = vector.broadcast %jit3A : f32 to vector<1280x64xf32>
    %select_n3A = arith.select %lt3A_30, %max3A_24, %broadcast_in_dim3A : vector<1280x64xi1>, vector<1280x64xf32>
    %reduce_sum3A = arith.constant dense<0.000000e+00> : vector<64xf32>
    %reduce_sum3A_31 = vector.multi_reduction <add>, %select_n3A, %reduce_sum3A [0] : vector<1280x64xf32> to vector<64xf32>
    %broadcast_in_dim3A_32 = vector.shape_cast %reduce_sum3A_31 : vector<64xf32> to vector<1x64xf32>
    %eq3A = arith.constant 0 : i32
    %eq3A_33 = arith.cmpi eq, %arg0, %eq3A : i32
    %convert_element_type3A_34 = arith.extui %eq3A_33 : i1 to i32
    %cond3A = arith.constant 0 : i32
    %cond3A_35 = arith.cmpi ne, %convert_element_type3A_34, %cond3A : i32
    scf.if %cond3A_35 {
      %swap3A = arith.constant 0 : index
      %swap3A_45 = arith.constant 0 : index
      %swap3A_46 = vector.load %arg11[%swap3A, %swap3A_45] : memref<1x64xf32, #tpu.memory_space<vmem>>, vector<1x64xf32>
      tpu.vector_store %arg11[%swap3A, %swap3A_45], %broadcast_in_dim3A_32 {strides = array<i32>} : memref<1x64xf32, #tpu.memory_space<vmem>>, vector<1x64xf32>,
    } else {
    }
    %gt3A = arith.constant 0 : i32
    %gt3A_36 = arith.cmpi sgt, %arg0, %gt3A : i32
    %convert_element_type3A_37 = arith.extui %gt3A_36 : i1 to i32
    %cond3A_38 = arith.constant 0 : i32
    %cond3A_39 = arith.cmpi ne, %convert_element_type3A_37, %cond3A_38 : i32
    scf.if %cond3A_39 {
      %get3A_45 = arith.constant 0 : index
      %get3A_46 = arith.constant 0 : index
      %get3A_47 = vector.load %arg11[%get3A_45, %get3A_46] : memref<1x64xf32, #tpu.memory_space<vmem>>, vector<1x64xf32>
      %add3A_48 = arith.addf %get3A_47, %broadcast_in_dim3A_32 : vector<1x64xf32>
      %swap3A = arith.constant 0 : index
      %swap3A_49 = arith.constant 0 : index
      %swap3A_50 = vector.load %arg11[%swap3A, %swap3A_49] : memref<1x64xf32, #tpu.memory_space<vmem>>, vector<1x64xf32>
      tpu.vector_store %arg11[%swap3A, %swap3A_49], %add3A_48 {strides = array<i32>} : memref<1x64xf32, #tpu.memory_space<vmem>>, vector<1x64xf32>,
    } else {
    }
    %eq3A_40 = arith.constant 7 : i32
    %eq3A_41 = arith.cmpi eq, %arg0, %eq3A_40 : i32
    %convert_element_type3A_42 = arith.extui %eq3A_41 : i1 to i32
    %cond3A_43 = arith.constant 0 : i32
    %cond3A_44 = arith.cmpi ne, %convert_element_type3A_42, %cond3A_43 : i32
    scf.if %cond3A_44 {
      %get3A_45 = arith.constant 0 : index
      %get3A_46 = arith.constant 0 : index
      %get3A_47 = vector.load %arg11[%get3A_45, %get3A_46] : memref<1x64xf32, #tpu.memory_space<vmem>>, vector<1x64xf32>
      %mul3A_48 = arith.constant 9.99999974E-5 : f32
      %mul3A_49 = vector.broadcast %mul3A_48 : f32 to vector<1x64xf32>
      %mul3A_50 = arith.mulf %get3A_47, %mul3A_49 : vector<1x64xf32>
      %get3A_51 = arith.constant 0 : index
      %get3A_52 = arith.constant 0 : index
      %get3A_53 = vector.load %arg6[%get3A_51, %get3A_52] : memref<64x64xf32, #tpu.memory_space<vmem>>, vector<64x64xf32>
      %dot_general3A = arith.constant dense<0.000000e+00> : vector<1x64xf32>
      %dot_general3A_54 = tpu.matmul %mul3A_50, %get3A_53, %dot_general3A {dimension_numbers = #tpu.dot_dimension_numbers<[1], [0], [0], [1], [0, 0, 1, 1], [], []>, transpose_lhs_hint = false} : vector<1x64xf32>, vector<64x64xf32>, vector<1x64xf32> -> vector<1x64xf32>
      %get3A_55 = arith.constant 0 : index
      %get3A_56 = arith.constant 0 : index
      %get3A_57 = vector.load %arg7[%get3A_55, %get3A_56] : memref<1x64xf32, #tpu.memory_space<vmem>>, vector<1x64xf32>
      %add3A_58 = arith.addf %dot_general3A_54, %get3A_57 : vector<1x64xf32>
      %max3A_59 = arith.constant 0.000000e+00 : f32
      %max3A_60 = vector.broadcast %max3A_59 : f32 to vector<1x64xf32>
      %max3A_61 = arith.maximumf %add3A_58, %max3A_60 : vector<1x64xf32>
      %get3A_62 = arith.constant 0 : index
      %get3A_63 = arith.constant 0 : index
      %get3A_64 = vector.load %arg8[%get3A_62, %get3A_63] : memref<64x18xf32, #tpu.memory_space<vmem>>, vector<64x18xf32>
      %dot_general3A_65 = arith.constant dense<0.000000e+00> : vector<1x18xf32>
      %dot_general3A_66 = tpu.matmul %max3A_61, %get3A_64, %dot_general3A_65 {dimension_numbers = #tpu.dot_dimension_numbers<[1], [0], [0], [1], [0, 0, 1, 1], [], []>, transpose_lhs_hint = false} : vector<1x64xf32>, vector<64x18xf32>, vector<1x18xf32> -> vector<1x18xf32>
      %get3A_67 = arith.constant 0 : index
      %get3A_68 = arith.constant 0 : index
      %get3A_69 = vector.load %arg9[%get3A_67, %get3A_68] : memref<1x18xf32, #tpu.memory_space<vmem>>, vector<1x18xf32>
      %add3A_70 = arith.addf %dot_general3A_66, %get3A_69 : vector<1x18xf32>
      %swap3A = arith.constant 0 : index
      %swap3A_71 = arith.constant 0 : index
      %swap3A_72 = vector.load %arg10[%swap3A, %swap3A_71] : memref<1x18xf32, #tpu.memory_space<vmem>>, vector<1x18xf32>
      tpu.vector_store %arg10[%swap3A, %swap3A_71], %add3A_70 {strides = array<i32>} : memref<1x18xf32, #tpu.memory_space<vmem>>, vector<1x18xf32>,
    } else {
    }
    return
  }
  func.func @transform_0(%arg0: i32) -> (i32, i32) {
    %c0_i32 = arith.constant 0 : i32
    %c0_i32_0 = arith.constant 0 : i32
    return %arg0, %c0_i32 : i32, i32
  }
  func.func @transform_1(%arg0: i32) -> (i32, i32) {
    %c0_i32 = arith.constant 0 : i32
    %c0_i32_0 = arith.constant 0 : i32
    return %arg0, %c0_i32 : i32, i32
  }
  func.func @transform_2(%arg0: i32) -> (i32, i32) {
    %c0_i32 = arith.constant 0 : i32
    %c0_i32_0 = arith.constant 0 : i32
    return %arg0, %c0_i32 : i32, i32
  }
  func.func @transform_3(%arg0: i32) -> (i32, i32) {
    %c0_i32 = arith.constant 0 : i32
    %c0_i32_0 = arith.constant 0 : i32
    return %arg0, %c0_i32 : i32, i32
  }
  func.func @transform_4(%arg0: i32) -> (i32, i32) {
    %c0_i32 = arith.constant 0 : i32
    %c0_i32_0 = arith.constant 0 : i32
    %c0_i32_1 = arith.constant 0 : i32
    return %c0_i32, %c0_i32_0 : i32, i32
  }
  func.func @transform_5(%arg0: i32) -> (i32, i32) {
    %c0_i32 = arith.constant 0 : i32
    %c0_i32_0 = arith.constant 0 : i32
    %c0_i32_1 = arith.constant 0 : i32
    return %c0_i32, %c0_i32_0 : i32, i32
  }
  func.func @transform_6(%arg0: i32) -> (i32, i32) {
    %c0_i32 = arith.constant 0 : i32
    %c0_i32_0 = arith.constant 0 : i32
    %c0_i32_1 = arith.constant 0 : i32
    return %c0_i32, %c0_i32_0 : i32, i32
  }
  func.func @transform_7(%arg0: i32) -> (i32, i32) {
    %c0_i32 = arith.constant 0 : i32
    %c0_i32_0 = arith.constant 0 : i32
    %c0_i32_1 = arith.constant 0 : i32
    return %c0_i32, %c0_i32_0 : i32, i32
  }
  func.func @transform_8(%arg0: i32) -> (i32, i32) {
    %c0_i32 = arith.constant 0 : i32
    %c0_i32_0 = arith.constant 0 : i32
    %c0_i32_1 = arith.constant 0 : i32
    return %c0_i32, %c0_i32_0 : i32, i32
  }
  func.func @transform_9(%arg0: i32) -> (i32, i32) {
    %c0_i32 = arith.constant 0 : i32
    %c0_i32_0 = arith.constant 0 : i32
    %c0_i32_1 = arith.constant 0 : i32
    return %c0_i32, %c0_i32_0 : i32, i32
  }
}

</mosaic_0001>

<sc_bundles>
// kernel: kernel.11.cloned.1.call-start
scs
__scs_entry_jumppad:
0x0: {  	(pc) =	sbr.rel $0x88, $3  }
0x1: {  	(tag) =	ssettag $0x0;
	lr =	simm.s32 $0x1  }
0x2: {  	[smem:$0x3F97] =	sst lr;
	_ =	strace $0xD0000000  }
0x3: {  	_ = 	snop  }
0x4: {  	_ = 	snop  }
0x5: {  	_ = 	snop  }
0x6: {  	_ = 	snop  }
0x7: {  	_ = 	snop  }
__scs_overlays_trampoline_lowered:
0x8: {  	[smem:$0x3FA6] =	sst s0  }
0x9: {  	[smem:$0x3FA7] =	sst s1  }
0xa: {  	[smem:$0x3FA8] =	sst s2  }
0xb: {  	[smem:$0x3FA9] =	sst s3  }
0xc: {  	[smem:$0x3FAA] =	sst s4  }
0xd: {  	[smem:$0x3FAB] =	sst s5  }
0xe: {  	[smem:$0x3FAC] =	sst s6  }
0xf: {  	[smem:$0x3FAD] =	sst s7  }
0x10: {  	[smem:$0x3FAE] =	sst s8  }
0x11: {  	[smem:$0x3FAF] =	sst s9;
	s0 =	simm.s32 @!p0 $0x0  }
0x12: {  	s1 =	sld [smem:$0x3F95];
	s0 =	simm.s32 @p0 $0x1  }
0x13: {  	[smem:$0x3FB0] =	sst s0;
	s0 =	simm.s32 @!p1 $0x0  }
0x14: {  	s2 =	sld [smem:$0x3F94];
	s0 =	simm.s32 @p1 $0x1  }
0x15: {  	[smem:$0x3FB1] =	sst s0;
	s0 =	simm.s32 @!p2 $0x0  }
0x16: {  	s3 =	sld [smem:$0x3FDB];
	s0 =	simm.s32 @p2 $0x1  }
0x17: {  	s4 =	simm.s32 $0x1BF5;
	[smem:$0x3FB3] =	sst s0  }
0x18: {  	s0 =	sld [smem:$0x3F96];
	_ =	swait.ge [sflag:s4], $0x0  }
0x19: {  	s7 =	sld [smem:$0x3F97]  }
0x1a: {  	s8 =	sadd.s32 $0xFFFFE003, lr  }
0x1b: {  	s9 =	sadd.s32 $0xFFFFFEF7, lr;
	s5 =	simm.s32 $0xFFFFFFFF;
	p2 =	slt.u32 s8, $0xFFFFF086  }
0x1c: {  	p1 =	slt.u32 s9, $0xF7A;
	s5 =	simm.s32 @!p2 $0x0  }
0x1d: {  	s5 =	simm.s32 @p1 $0x1;
	p0 =	seq.s32 s7, s2  }
0x1e: {  	s7 =	smul.u32 @!p0 $0xF7A, s2;
	p2 =	seq.s32 @!p0 s5, $0x0  }
0x1f: {  	s9 =	smul.u32 $0xF7A, s1;
	s8 =	simm.s32 @!p0 $0x1BF5;
	p2 =	por !p2, p0  }
0x20: {  	[sflag:s8] =	ssyncset.s32 @!p0 $0xFFFFF086;
	s6 =	sadd.s32 @!p0 s3, s7;
	s7 =	simm.s32 @!p0 $0x108  }
0x21: {  	s3 =	sadd.s32 s3, s9;
	s6 =	sadd.s32 @!p0 $0x88, s6;
	s7 =	simm.s32 @p2 $0x1082  }
0x22: {  	[simem:s7], [sflag:s8] =	dma.local @!p0 [hbm:s6], $0xF7A  }
0x23: {  	s9 =	sor.u32 $0xD0000000, s2;
	s6 =	simm.s32 $0x108;
	_ =	swait.ge @!p0 [sflag:s8], $0x0  }
0x24: {  	s3 =	sadd.s32 $0x88, s3;
	s6 =	simm.s32 @!p1 $0x1082;
	[sflag:s4] =	ssyncset.s32 $0xFFFFF086  }
0x25: {  	[simem:s6], [sflag:s4] =	dma.local [hbm:s3], $0xF7A  }
0x26: {  	[smem:$0x3F97] =	sst s1;
	(tag) =	ssettag s2;
	_ =	strace s9  }
0x27: {  	s1 =	sld [smem:$0x3FA7]  }
0x28: {  	s2 =	sld [smem:$0x3FA8]  }
0x29: {  	s4 =	sld [smem:$0x3FAA]  }
0x2a: {  	p0 =	seq.s32 s5, $0x0;
	s5 =	sld [smem:$0x3FAB]  }
0x2b: {  	s6 =	sld [smem:$0x3FAC]  }
0x2c: {  	s7 =	sld [smem:$0x3FAD]  }
0x2d: {  	s3 =	simm.s32 $0x108;
	s8 =	sld [smem:$0x3FAE]  }
0x2e: {  	s3 =	simm.s32 @!p0 $0x1082;
	s9 =	sld [smem:$0x3FAF]  }
0x2f: {  	lr =	sadd.s32 s0, s3;
	s0 =	sld [smem:$0x3FA6]  }
0x30: {  	s3 =	sld [smem:$0x3FA9]  }
0x31: {  	[smem:$0x3FB2] =	sst s10  }
0x32: {  	s10 =	sld [smem:$0x3FB0];
	_ =	sdelay $0x3  }
0x33: {  	p0 =	seq.s32 s10, $0x1;
	s10 =	sld [smem:$0x3FB2];
	_ =	sdelay $0x3  }
0x34: {  	[smem:$0x3FB2] =	sst s10  }
0x35: {  	s10 =	sld [smem:$0x3FB1];
	_ =	sdelay $0x3  }
0x36: {  	p1 =	seq.s32 s10, $0x1;
	s10 =	sld [smem:$0x3FB2];
	_ =	sdelay $0x3  }
0x37: {  	[smem:$0x3FB2] =	sst s10  }
0x38: {  	s10 =	sld [smem:$0x3FB3]  }
0x39: {  	_ = 	snop;
	(pc) =	sbr.ind lr, $3  }
0x3a: {  	_ = 	snop  }
0x3b: {  	_ = 	snop  }
0x3c: {  	p2 =	seq.s32 s10, $0x1;
	s10 =	sld [smem:$0x3FB2]  }
0x3d: {  	_ =	shalt  }
0x3e: {  	_ =	shalt  }
0x3f: {  	_ =	shalt  }
0x40: {  	_ =	shalt  }
0x41: {  	_ =	shalt  }
0x42: {  	_ =	shalt  }
0x43: {  	_ =	shalt  }
0x44: {  	_ =	shalt  }
0x45: {  	_ =	shalt  }
0x46: {  	_ =	shalt  }
0x47: {  	_ =	shalt  }
0x48: {  	_ =	shalt  }
0x49: {  	_ =	shalt  }
0x4a: {  	_ =	shalt  }
0x4b: {  	_ =	shalt  }
0x4c: {  	_ =	shalt  }
0x4d: {  	_ =	shalt  }
0x4e: {  	_ =	shalt  }
0x4f: {  	_ =	shalt  }
0x50: {  	_ =	shalt  }
0x51: {  	_ =	shalt  }
0x52: {  	_ =	shalt  }
0x53: {  	_ =	shalt  }
0x54: {  	_ =	shalt  }
0x55: {  	_ =	shalt  }
0x56: {  	_ =	shalt  }
0x57: {  	_ =	shalt  }
0x58: {  	_ =	shalt  }
0x59: {  	_ =	shalt  }
0x5a: {  	_ =	shalt  }
0x5b: {  	_ =	shalt  }
0x5c: {  	_ =	shalt  }
0x5d: {  	_ =	shalt  }
0x5e: {  	_ =	shalt  }
0x5f: {  	_ =	shalt  }
0x60: {  	_ =	shalt  }
0x61: {  	_ =	shalt  }
0x62: {  	_ =	shalt  }
0x63: {  	_ =	shalt  }
0x64: {  	_ =	shalt  }
0x65: {  	_ =	shalt  }
0x66: {  	_ =	shalt  }
0x67: {  	_ =	shalt  }
0x68: {  	_ =	shalt  }
0x69: {  	_ =	shalt  }
0x6a: {  	_ =	shalt  }
0x6b: {  	_ =	shalt  }
0x6c: {  	_ =	shalt  }
0x6d: {  	_ =	shalt  }
0x6e: {  	_ =	shalt  }
0x6f: {  	_ =	shalt  }
0x70: {  	_ =	shalt  }
0x71: {  	_ =	shalt  }
0x72: {  	_ =	shalt  }
0x73: {  	_ =	shalt  }
0x74: {  	_ =	shalt  }
0x75: {  	_ =	shalt  }
0x76: {  	_ =	shalt  }
0x77: {  	_ =	shalt  }
0x78: {  	_ =	shalt  }
0x79: {  	_ =	shalt  }
0x7a: {  	_ =	shalt  }
0x7b: {  	_ =	shalt  }
0x7c: {  	_ =	shalt  }
0x7d: {  	_ =	shalt  }
0x7e: {  	_ =	shalt  }
0x7f: {  	_ =	shalt  }
0x80: {  	_ =	shalt  }
0x81: {  	_ =	shalt  }
0x82: {  	_ =	shalt  }
0x83: {  	_ =	shalt  }
0x84: {  	_ =	shalt  }
0x85: {  	_ =	shalt  }
0x86: {  	_ =	shalt  }
0x87: {  	_ =	shalt  }
.Lfunc_end0:
.L_simem_size_0:
called_computation.1_lowered:
.L_overlay_start_0:
0x88: {  	s2 =	sld [smem:$0x3FD9]  }
0x89: {  	s3 =	sld [smem:$0x3FFE];
	_ =	sdelay $0x1  }
0x8a: {  	s1 =	srdreg.scid  }
0x8b: {  	s0 =	sand.u32 $0x1, s1  }
0x8c: {  	s16 =	sshll.u32 s0, $0xA;
	s2 =	sadd.s32 s3, s2  }
0x8d: {  	s2 =	sadd.s32 s2, s16  }
0x8e: {  	[smem:$0x3FBE] =	sst s2  }
0x8f: {  	_ = 	snop  }
0x90: {  	(tm) =	ssettm $0x1  }
0x91: {  	s17 =	sld [smem:$0x3FFB];
	_ =	sdelay $0x3  }
0x92: {  	_ =	strace s17  }
0x93: {  	s2 =	sld [smem:$0x3FFC];
	_ =	sdelay $0x3  }
0x94: {  	_ =	strace s2  }
0x95: {  	s2 =	sld [smem:$0x3FFD];
	_ =	sdelay $0x3  }
0x96: {  	_ =	strace s2  }
0x97: {  	_ =	strace $0x8FFFFFFF  }
0x98: {  	s18 =	sld [smem:$0x3FDB];
	_ =	sdelay $0x1  }
0x99: {  	s19 =	simm.s32 $_scs_section_size  }
0x9a: {  	s4 =	simm.s32 $_size__tile_overlayer_lowered;
	s5 =	simm.s32 $_tile_overlayer_lowered  }
0x9b: {  	s22 =	simm.s32 $0x1BFF;
	s21 =	sshll.u32 s5, $0x1;
	s2 =	sadd.s32 s19, s18  }
0x9c: {  	s6 =	simm.s32 $0x0;
	s20 =	sshll.u32 s4, $0x1;
	s4 =	sadd.s32 s21, s2  }
0x9d: {  	[timem:s6], [sflag:s22] =	dma.local [hbm:s4], s20  }
0x9e: {  	_ =	swait.ge [sflag:s22], s20  }
0x9f: {  	s3 =	ssub.s32 $0x0, s20;
	[sflag:s22] =	ssyncset.done $0x0  }
0xa0: {  	[sflag:s22] =	ssyncadd.s32 s3;
	_ =	sdelay $0x1  }
0xa1: {  	s23 =	simm.s32 $0x1B8B  }
0xa2: {  	_ =	swait.ge [sflag:s23], $0x1  }
0xa3: {  	[sflag:s23] =	ssyncset.done $0x0  }
0xa4: {  	s25 =	simm.s32 $0x1B8E;
	s24 =	sld [smem:$0x3FFE];
	[sflag:s23] =	ssyncadd.s32 $0xFFFFFFFF  }
0xa5: {  	s26 =	simm.s32 $execute0_lowered;
	[smem:$0x3FD2] =	sst s25  }
0xa6: {  	s4 =	sshll.u32 s26, $0x1;
	_ =	strace $0x80000049;
	[dreg:$0x1] =	wrdreg $0xFFFFFFFF  }
0xa7: {  	s28 =	simm.s32 $_size_execute0_lowered;
	s2 =	sadd.s32 s2, s4;
	[dreg:$0x0] =	wrdreg $0x0  }
0xa8: {  	s4 =	sshll.u32 s28, $0x1;
	[dreg:$0x2] =	wrdreg s2  }
0xa9: {  	[dreg:$0x3] =	wrdreg s4  }
0xaa: {  	[dreg:$0x4] =	wrdreg $0xC0  }
0xab: {  	_ =	task [dreg:s6], $0x5FFFF  }
0xac: {  	[dreg:$0x1] =	wrdreg $0xFFFFFFFF  }
0xad: {  	[dreg:$0x0] =	wrdreg $0x60  }
0xae: {  	[dreg:$0x2] =	wrdreg s24  }
0xaf: {  	[dreg:$0x3] =	wrdreg $0x130000  }
0xb0: {  	[dreg:$0x4] =	wrdreg $0x90000  }
0xb1: {  	[dreg:$0x5] =	wrdreg $0x9  }
0xb2: {  	_ =	task.clear_ibuf [dreg:s6], $0x6FFFF;
	_ =	strace $0x90000049  }
0xb3: {  	s29 =	simm.s32 $0x9;
	_ =	strace $0x8000004B  }
0xb4: {  	_ =	swait.ge [sflag:s29], $0x1  }
0xb5: {  	[sflag:s29] =	ssyncadd.s32 $0xFFFFFFFF  }
0xb6: {  	_ =	strace $0x9000004B  }
0xb7: {  	_ =	sfence  }
0xb8: {  	s30 =	sld [smem:$0x0];
	_ =	sdelay $0x2  }
0xb9: {  	s31 =	sshll.u32 s1, $0xD;
	s1 =	sshrl.u32 s1, $0x2  }
0xba: {  	s3 =	sand.u32 $0x4000, s31;
	s1 =	sadd.s32 s1, s30  }
0xbb: {  	s0 =	sor.u32 s3, s0;
	s1 =	sshll.u32 s1, $0x11  }
0xbc: {  	s0 =	sor.u32 s1, s0  }
0xbd: {  	s0 =	sadd.s32 $0x8F2B, s0  }
0xbe: {  	[sflag:s0] =	ssyncadd.remote.s32 $0x1  }
0xbf: {  	_ =	sfence.sel $0xFFFF  }
0xc0: {  	[dreg:$0x0] =	wrdreg $0xFFFFFFFF;
	(pc) =	sbr.abs _section_cstart, $3  }
0xc1: {  	[dreg:$0x1] =	wrdreg $0xFFFFFFFF  }
0xc2: {  	_ =	task.clear_ibuf [dreg:s6], $0x2FFFF;
	_ =	strace $0x9FFFFFFF  }
0xc3: {  	(tm) =	ssettm $0x7FFFFFFF  }
tec
execute0_lowered:
.L_overlay_start_1:
0x0: {  	(tag) =	ssettag $0x1  }
0x1: {  	s5 =	rddreg [dreg:$0x0]  }
0x2: {  	s2 =	rddreg [dreg:$0x1]  }
0x3: {  	s3 =	rddreg [dreg:$0x2];
	s4 =	srdreg.scid  }
0x4: {  	s1 =	stileid.u32;
	s0 =	rddreg [dreg:$0x3];
	s16 =	simm.s32 $0x5000  }
0x5: {  	s17 =	simm.s32 $0x1;
	s18 =	simm.s32 $0x7000;
	s19 =	simm.s32 $0x2  }
0x6: {  	s20 =	simm.s32 $0x2780;
	s21 =	simm.s32 $0x4F00;
	s22 =	simm.s32 $0x4F80  }
0x7: {  	s11 =	sand.u32 $0x1, s4;
	s6 =	sshll.u32 s1, $0x1;
	s4 =	simm.s32 $0x0  }
0x8: {  	s7 =	smul.u32 $0x14000, s1;
	s31 =	sshll.u32 s1, $0x6;
	s6 =	sor.u32 s11, s6  }
0x9: {  	[smem:$0x7FF] =	sst s4;
	s8 =	smul.u32 $0x14000, s11;
	s29 =	ssub.s32 $0x2, s11  }
0xa: {  	p0 =	seq.s32 s11, $0x0;
	s6 =	smul.u32 $0x500, s6;
	_ =	strace $0x8000004A  }
0xb: {  	s23 =	sshrl.u32 s7, $0x4;
	s30 =	sshrl.u32 s29, $0x1;
	s7 =	sshrl.u32 s7, $0x1  }
0xc: {  	s10 =	sadd.s32 s23, s5;
	s12 =	sadd.s32 s8, s5;
	s13 =	ssub.s32 s29, s30  }
0xd: {  	s14 =	sadd.s32 s7, s2;
	s15 =	sadd.s32 s7, s3;
	s9 =	sadd.s32 s6, s5  }
0xe: {  	s5 =	sadd.s32 $0x39400, s10;
	s6 =	sor.u32 $0x1C03, s31;
	s7 =	sadd.s32 $0x1B400, s10  }
0xf: {  	s24 =	sadd.s32 $0x4D400, s12;
	s10 =	smax.u32 s13, $0x1;
	s11 =	sshrl.u32 s14, $0x3  }
0x10: {  	s12 =	simm.s32 $0x3;
	s13 =	sshrl.u32 s15, $0x3;
	s14 =	simm.s32 $0x2800  }
0x11: {  	s15 =	simm.s32 $0x80;
	s8 =	sadd.s32 $0x2F400, s9;
	s9 =	sadd.s32 $0x2200, s9  }
0x12: {  	s7 =	smov.u32 @p0 s5;
	s23 =	sadd.s32 s23, s24;
	s24 =	simm.s32 $0x0  }
.LBB2_1:
0x13: {  	[spmem:s11], [sflag:s6] =	dma.local [hbm:s5], $0x1400  }
0x14: {  	_ =	swait.ge [sflag:s12], $0x1400  }
0x15: {  	[sflag:s12] =	ssyncset.done $0x0  }
0x16: {  	[sflag:s12] =	ssyncadd.s32 $0xFFFFEC00  }
0x17: {  	[spmem:s13], [sflag:s6] =	dma.local [hbm:s7], $0x1400  }
0x18: {  	_ =	swait.ge [sflag:s12], $0x1400  }
0x19: {  	[sflag:s12] =	ssyncset.done $0x0  }
0x1a: {  	[sflag:s12] =	ssyncadd.s32 $0xFFFFEC00  }
0x1b: {  	[tilespmem:s4], [sflag:$0x3] =	stream.linear.gather [hbm4b:s8+s4], $0x2800, $0x38;
	[tilespmem:$0x1D000] =	vst v63  }
0x1c: {  	_ =	swait.ge [sflag:s12], $0x2800  }
0x1d: {  	[sflag:s12] =	ssyncset.done $0x0  }
0x1e: {  	[sflag:s12] =	ssyncadd.s32 $0xFFFFD800  }
0x1f: {  	[tilespmem:s14], [sflag:$0x3] =	stream.linear.gather [hbm4b:s9+s4], $0x2800, $0x38;
	[tilespmem:$0x1D000] =	vst v63  }
0x20: {  	_ =	swait.ge [sflag:s12], $0x2800  }
0x21: {  	[sflag:s12] =	ssyncset.done $0x0  }
0x22: {  	[sflag:s12] =	ssyncadd.s32 $0xFFFFD800  }
0x23: {  	[bflag:$0x0] =	sbarrier.arrive $0xFFFF  }
0x24: {  	[tilespmem:s16], [sflag:$0x1] =	stream.indirect.gather [spmem:s2], $0x40, s4, s15, $0xb8;
	[tilespmem:$0x1D000] =	vst v63  }
0x25: {  	_ =	swait.ge [sflag:s17], $0x2000  }
0x26: {  	[sflag:s17] =	ssyncset.done $0x0  }
0x27: {  	s25 =	simm.s32 $0x80;
	[sflag:s17] =	ssyncadd.s32 $0xFFFFE000  }
0x28: {  	[tilespmem:s18], [sflag:$0x2] =	stream.indirect.gather [spmem:s2], $0x40, s25, s15, $0xb8;
	[tilespmem:$0x1D000] =	vst v63  }
0x29: {  	s29 =	simm.s32 $0x2800  }
0x2a: {  	[spmem:s3] =	stream.indirect.scatter.add.bf16 [tilespmem:s16], [sflag:$0x3], $0x40, s29, s15, $0xb8;
	[tilespmem:$0x1D000] =	vst v63  }
0x2b: {  	_ =	swait.ge [sflag:s12], $0x2000  }
0x2c: {  	[sflag:s12] =	ssyncset.done $0x0  }
0x2d: {  	[sflag:s12] =	ssyncadd.s32 $0xFFFFE000  }
0x2e: {  	_ =	swait.ge [sflag:s19], $0x2000  }
0x2f: {  	[sflag:s19] =	ssyncset.done $0x0  }
0x30: {  	s30 =	simm.s32 $0x100;
	[sflag:s19] =	ssyncadd.s32 $0xFFFFE000  }
0x31: {  	[tilespmem:s16], [sflag:$0x1] =	stream.indirect.gather [spmem:s2], $0x40, s30, s15, $0xb8;
	[tilespmem:$0x1D000] =	vst v63  }
0x32: {  	s31 =	simm.s32 $0x2880  }
0x33: {  	[spmem:s3] =	stream.indirect.scatter.add.bf16 [tilespmem:s18], [sflag:$0x3], $0x40, s31, s15, $0xb8;
	[tilespmem:$0x1D000] =	vst v63  }
0x34: {  	_ =	swait.ge [sflag:s12], $0x2000  }
0x35: {  	[sflag:s12] =	ssyncset.done $0x0  }
0x36: {  	[sflag:s12] =	ssyncadd.s32 $0xFFFFE000  }
0x37: {  	_ =	swait.ge [sflag:s17], $0x2000  }
0x38: {  	s26 =	simm.s32 $0x800;
	s25 =	simm.s32 $0x100;
	[sflag:s17] =	ssyncset.done $0x0  }
.LBB2_2:
0x39: {  	s28 =	sadd.s32 $0x80, s25  }
0x3a: {  	[sflag:s17] =	ssyncadd.s32 $0xFFFFE000;
	s29 =	smov.u32 s26;
	s30 =	sadd.s32 $0x400, s26  }
0x3b: {  	[tilespmem:s18], [sflag:$0x2] =	stream.indirect.gather [spmem:s2], $0x40, s28, s15, $0xb8;
	[tilespmem:$0x1D000] =	vst v63  }
0x3c: {  	p0 =	sne.s32 s26, $0x9800;
	s26 =	sadd.s32 $0x2800, s25  }
0x3d: {  	[spmem:s3] =	stream.indirect.scatter.add.bf16 [tilespmem:s16], [sflag:$0x3], $0x40, s26, s15, $0xb8;
	[tilespmem:$0x1D000] =	vst v63  }
0x3e: {  	_ =	swait.ge [sflag:s12], $0x2000  }
0x3f: {  	[sflag:s12] =	ssyncset.done $0x0  }
0x40: {  	[sflag:s12] =	ssyncadd.s32 $0xFFFFE000  }
0x41: {  	_ =	swait.ge [sflag:s19], $0x2000  }
0x42: {  	[sflag:s19] =	ssyncset.done $0x0  }
0x43: {  	s26 =	sadd.s32 $0x100, s25;
	[sflag:s19] =	ssyncadd.s32 $0xFFFFE000  }
0x44: {  	[tilespmem:s16], [sflag:$0x1] =	stream.indirect.gather [spmem:s2], $0x40, s26, s15, $0xb8;
	[tilespmem:$0x1D000] =	vst v63  }
0x45: {  	s25 =	sadd.s32 $0x2880, s25  }
0x46: {  	[spmem:s3] =	stream.indirect.scatter.add.bf16 [tilespmem:s18], [sflag:$0x3], $0x40, s25, s15, $0xb8;
	[tilespmem:$0x1D000] =	vst v63  }
.Ltmp0:
0x47: {  	_ =	swait.ge [sflag:s12], $0x2000;
	(pc) =	sbr.rel @p0 .LBB2_2-.Ltmp0, $4  }
0x48: {  	[sflag:s12] =	ssyncset.done $0x0  }
0x49: {  	[sflag:s12] =	ssyncadd.s32 $0xFFFFE000  }
0x4a: {  	_ =	swait.ge [sflag:s17], $0x2000  }
0x4b: {  	s26 =	smov.u32 s30;
	s25 =	sshra.s32 s29, $0x2;
	[sflag:s17] =	ssyncset.done $0x0  }
0x4c: {  	s26 =	sadd.s32 $0x80, s25;
	[sflag:s17] =	ssyncadd.s32 $0xFFFFE000  }
0x4d: {  	[tilespmem:s18], [sflag:$0x2] =	stream.indirect.gather [spmem:s2], $0x40, s26, s15, $0xb8;
	[tilespmem:$0x1D000] =	vst v63  }
0x4e: {  	s29 =	sadd.s32 $0x2800, s25  }
0x4f: {  	[spmem:s3] =	stream.indirect.scatter.add.bf16 [tilespmem:s16], [sflag:$0x3], $0x40, s29, s15, $0xb8;
	[tilespmem:$0x1D000] =	vst v63  }
0x50: {  	_ =	swait.ge [sflag:s12], $0x2000  }
0x51: {  	[sflag:s12] =	ssyncset.done $0x0  }
0x52: {  	[sflag:s12] =	ssyncadd.s32 $0xFFFFE000  }
0x53: {  	_ =	swait.ge [sflag:s19], $0x2000  }
0x54: {  	[sflag:s19] =	ssyncset.done $0x0  }
0x55: {  	s30 =	sadd.s32 $0x100, s25;
	[sflag:s19] =	ssyncadd.s32 $0xFFFFE000  }
0x56: {  	[tilespmem:s16], [sflag:$0x1] =	stream.indirect.gather [spmem:s2], $0x40, s30, s15, $0xb8;
	[tilespmem:$0x1D000] =	vst v63  }
0x57: {  	s31 =	sadd.s32 $0x2880, s25  }
0x58: {  	[spmem:s3] =	stream.indirect.scatter.add.bf16 [tilespmem:s18], [sflag:$0x3], $0x40, s31, s15, $0xb8;
	[tilespmem:$0x1D000] =	vst v63  }
0x59: {  	_ =	swait.ge [sflag:s12], $0x2000  }
0x5a: {  	[sflag:s12] =	ssyncset.done $0x0  }
0x5b: {  	[sflag:s12] =	ssyncadd.s32 $0xFFFFE000  }
0x5c: {  	_ =	swait.ge [sflag:s17], $0x2000  }
0x5d: {  	[sflag:s17] =	ssyncset.done $0x0  }
0x5e: {  	[sflag:s17] =	ssyncadd.s32 $0xFFFFE000  }
0x5f: {  	[tilespmem:s18], [sflag:$0x2] =	stream.indirect.gather [spmem:s2], $0x40, s20, s15, $0xb8;
	[tilespmem:$0x1D000] =	vst v63  }
0x60: {  	_ = 	snop  }
0x61: {  	[spmem:s3] =	stream.indirect.scatter.add.bf16 [tilespmem:s16], [sflag:$0x3], $0x40, s21, s15, $0xb8;
	[tilespmem:$0x1D000] =	vst v63  }
0x62: {  	_ =	swait.ge [sflag:s12], $0x2000  }
0x63: {  	[sflag:s12] =	ssyncset.done $0x0  }
0x64: {  	[sflag:s12] =	ssyncadd.s32 $0xFFFFE000  }
0x65: {  	_ =	swait.ge [sflag:s19], $0x2000  }
0x66: {  	[sflag:s19] =	ssyncset.done $0x0  }
0x67: {  	[sflag:s19] =	ssyncadd.s32 $0xFFFFE000  }
0x68: {  	[spmem:s3] =	stream.indirect.scatter.add.bf16 [tilespmem:s18], [sflag:$0x3], $0x40, s22, s15, $0xb8;
	[tilespmem:$0x1D000] =	vst v63  }
0x69: {  	_ =	swait.ge [sflag:s12], $0x2000  }
0x6a: {  	s24 =	sadd.s32 $0x1, s24;
	[sflag:s12] =	ssyncset.done $0x0  }
0x6b: {  	p0 =	sne.s32 s24, s10;
	[sflag:s12] =	ssyncadd.s32 $0xFFFFE000  }
.Ltmp1:
0x6c: {  	[bflag:$0x0] =	sbarrier.arrive $0xFFFF;
	(pc) =	sbr.rel @p0 .LBB2_1-.Ltmp1, $4  }
0x6d: {  	[hbm:s23], [sflag:s6] =	dma.local [spmem:s13], $0x1400  }
0x6e: {  	_ =	swait.ge [sflag:s12], $0x1400  }
0x6f: {  	[sflag:s12] =	ssyncset.done $0x0  }
0x70: {  	[sflag:s12] =	ssyncadd.s32 $0xFFFFEC00  }
0x71: {  	_ =	sfence.sel $0x180000  }
0x72: {  	[bflag:$0x0] =	sbarrier.arrive $0xFFFF  }
0x73: {  	p0 =	sne.s32 s1, $0x0;
	_ =	strace $0x9000004A  }
0x74: {  	s0 =	sadd.s32 @!p0 $0x100000, s0;
	[bflag:$0x2] =	sbarrier.arrive $0xFFFF  }
0x75: {  	[sflag:s0] =	ssyncadd.tile.s32 @!p0 $0x1;
	_ =	shalt  }
.Lfunc_end2:
_tile_overlayer_lowered:
.L_overlay_start_2:
0x76: {  	(tag) =	ssettag $0x2  }
0x77: {  	s0 =	rddreg [dreg:$0x0];
	s2 =	stileid.u32  }
0x78: {  	s1 =	rddreg [dreg:$0x1];
	p0 =	sne.s32 s2, $0x0  }
0x79: {  	s3 =	rddreg [dreg:$0x2];
	[bflag:$0x3] =	sbarrier.arrive $0xFFFF;
	s2 =	simm.s32 @!p0 $0x1C03  }
0x7a: {  	[timem:s3], [sflag:s2] =	dma.local @!p0 [hbm:s0], s1  }
0x7b: {  	s0 =	simm.s32 @!p0 $0x3  }
0x7c: {  	_ =	swait.ge @!p0 [sflag:s0], s1  }
0x7d: {  	s1 =	ssub.s32 @!p0 $0x0, s1;
	[sflag:s0] =	ssyncset.done @!p0 $0x0  }
0x7e: {  	[sflag:s0] =	ssyncadd.s32 @!p0 s1  }
0x7f: {  	[bflag:$0x3] =	sbarrier.arrive $0xFFFF  }
0x80: {  	_ =	shalt  }

// kernel: kernel.14.cloned.1.call-start
scs
__scs_entry_jumppad:
0x0: {  	(pc) =	sbr.rel $0x88, $3  }
0x1: {  	(tag) =	ssettag $0x0;
	lr =	simm.s32 $0x1  }
0x2: {  	[smem:$0x3F97] =	sst lr;
	_ =	strace $0xD0000000  }
0x3: {  	_ = 	snop  }
0x4: {  	_ = 	snop  }
0x5: {  	_ = 	snop  }
0x6: {  	_ = 	snop  }
0x7: {  	_ = 	snop  }
__scs_overlays_trampoline_lowered:
0x8: {  	[smem:$0x3FA6] =	sst s0  }
0x9: {  	[smem:$0x3FA7] =	sst s1  }
0xa: {  	[smem:$0x3FA8] =	sst s2  }
0xb: {  	[smem:$0x3FA9] =	sst s3  }
0xc: {  	[smem:$0x3FAA] =	sst s4  }
0xd: {  	[smem:$0x3FAB] =	sst s5  }
0xe: {  	[smem:$0x3FAC] =	sst s6  }
0xf: {  	[smem:$0x3FAD] =	sst s7  }
0x10: {  	[smem:$0x3FAE] =	sst s8  }
0x11: {  	[smem:$0x3FAF] =	sst s9;
	s0 =	simm.s32 @!p0 $0x0  }
0x12: {  	s1 =	sld [smem:$0x3F95];
	s0 =	simm.s32 @p0 $0x1  }
0x13: {  	[smem:$0x3FB0] =	sst s0;
	s0 =	simm.s32 @!p1 $0x0  }
0x14: {  	s2 =	sld [smem:$0x3F94];
	s0 =	simm.s32 @p1 $0x1  }
0x15: {  	[smem:$0x3FB1] =	sst s0;
	s0 =	simm.s32 @!p2 $0x0  }
0x16: {  	s3 =	sld [smem:$0x3FDB];
	s0 =	simm.s32 @p2 $0x1  }
0x17: {  	s4 =	simm.s32 $0x1BF5;
	[smem:$0x3FB3] =	sst s0  }
0x18: {  	s0 =	sld [smem:$0x3F96];
	_ =	swait.ge [sflag:s4], $0x0  }
0x19: {  	s7 =	sld [smem:$0x3F97]  }
0x1a: {  	s8 =	sadd.s32 $0xFFFFE003, lr  }
0x1b: {  	s9 =	sadd.s32 $0xFFFFFEF7, lr;
	s5 =	simm.s32 $0xFFFFFFFF;
	p2 =	slt.u32 s8, $0xFFFFF086  }
0x1c: {  	p1 =	slt.u32 s9, $0xF7A;
	s5 =	simm.s32 @!p2 $0x0  }
0x1d: {  	s5 =	simm.s32 @p1 $0x1;
	p0 =	seq.s32 s7, s2  }
0x1e: {  	s7 =	smul.u32 @!p0 $0xF7A, s2;
	p2 =	seq.s32 @!p0 s5, $0x0  }
0x1f: {  	s9 =	smul.u32 $0xF7A, s1;
	s8 =	simm.s32 @!p0 $0x1BF5;
	p2 =	por !p2, p0  }
0x20: {  	[sflag:s8] =	ssyncset.s32 @!p0 $0xFFFFF086;
	s6 =	sadd.s32 @!p0 s3, s7;
	s7 =	simm.s32 @!p0 $0x108  }
0x21: {  	s3 =	sadd.s32 s3, s9;
	s6 =	sadd.s32 @!p0 $0x88, s6;
	s7 =	simm.s32 @p2 $0x1082  }
0x22: {  	[simem:s7], [sflag:s8] =	dma.local @!p0 [hbm:s6], $0xF7A  }
0x23: {  	s9 =	sor.u32 $0xD0000000, s2;
	s6 =	simm.s32 $0x108;
	_ =	swait.ge @!p0 [sflag:s8], $0x0  }
0x24: {  	s3 =	sadd.s32 $0x88, s3;
	s6 =	simm.s32 @!p1 $0x1082;
	[sflag:s4] =	ssyncset.s32 $0xFFFFF086  }
0x25: {  	[simem:s6], [sflag:s4] =	dma.local [hbm:s3], $0xF7A  }
0x26: {  	[smem:$0x3F97] =	sst s1;
	(tag) =	ssettag s2;
	_ =	strace s9  }
0x27: {  	s1 =	sld [smem:$0x3FA7]  }
0x28: {  	s2 =	sld [smem:$0x3FA8]  }
0x29: {  	s4 =	sld [smem:$0x3FAA]  }
0x2a: {  	p0 =	seq.s32 s5, $0x0;
	s5 =	sld [smem:$0x3FAB]  }
0x2b: {  	s6 =	sld [smem:$0x3FAC]  }
0x2c: {  	s7 =	sld [smem:$0x3FAD]  }
0x2d: {  	s3 =	simm.s32 $0x108;
	s8 =	sld [smem:$0x3FAE]  }
0x2e: {  	s3 =	simm.s32 @!p0 $0x1082;
	s9 =	sld [smem:$0x3FAF]  }
0x2f: {  	lr =	sadd.s32 s0, s3;
	s0 =	sld [smem:$0x3FA6]  }
0x30: {  	s3 =	sld [smem:$0x3FA9]  }
0x31: {  	[smem:$0x3FB2] =	sst s10  }
0x32: {  	s10 =	sld [smem:$0x3FB0];
	_ =	sdelay $0x3  }
0x33: {  	p0 =	seq.s32 s10, $0x1;
	s10 =	sld [smem:$0x3FB2];
	_ =	sdelay $0x3  }
0x34: {  	[smem:$0x3FB2] =	sst s10  }
0x35: {  	s10 =	sld [smem:$0x3FB1];
	_ =	sdelay $0x3  }
0x36: {  	p1 =	seq.s32 s10, $0x1;
	s10 =	sld [smem:$0x3FB2];
	_ =	sdelay $0x3  }
0x37: {  	[smem:$0x3FB2] =	sst s10  }
0x38: {  	s10 =	sld [smem:$0x3FB3]  }
0x39: {  	_ = 	snop;
	(pc) =	sbr.ind lr, $3  }
0x3a: {  	_ = 	snop  }
0x3b: {  	_ = 	snop  }
0x3c: {  	p2 =	seq.s32 s10, $0x1;
	s10 =	sld [smem:$0x3FB2]  }
0x3d: {  	_ =	shalt  }
0x3e: {  	_ =	shalt  }
0x3f: {  	_ =	shalt  }
0x40: {  	_ =	shalt  }
0x41: {  	_ =	shalt  }
0x42: {  	_ =	shalt  }
0x43: {  	_ =	shalt  }
0x44: {  	_ =	shalt  }
0x45: {  	_ =	shalt  }
0x46: {  	_ =	shalt  }
0x47: {  	_ =	shalt  }
0x48: {  	_ =	shalt  }
0x49: {  	_ =	shalt  }
0x4a: {  	_ =	shalt  }
0x4b: {  	_ =	shalt  }
0x4c: {  	_ =	shalt  }
0x4d: {  	_ =	shalt  }
0x4e: {  	_ =	shalt  }
0x4f: {  	_ =	shalt  }
0x50: {  	_ =	shalt  }
0x51: {  	_ =	shalt  }
0x52: {  	_ =	shalt  }
0x53: {  	_ =	shalt  }
0x54: {  	_ =	shalt  }
0x55: {  	_ =	shalt  }
0x56: {  	_ =	shalt  }
0x57: {  	_ =	shalt  }
0x58: {  	_ =	shalt  }
0x59: {  	_ =	shalt  }
0x5a: {  	_ =	shalt  }
0x5b: {  	_ =	shalt  }
0x5c: {  	_ =	shalt  }
0x5d: {  	_ =	shalt  }
0x5e: {  	_ =	shalt  }
0x5f: {  	_ =	shalt  }
0x60: {  	_ =	shalt  }
0x61: {  	_ =	shalt  }
0x62: {  	_ =	shalt  }
0x63: {  	_ =	shalt  }
0x64: {  	_ =	shalt  }
0x65: {  	_ =	shalt  }
0x66: {  	_ =	shalt  }
0x67: {  	_ =	shalt  }
0x68: {  	_ =	shalt  }
0x69: {  	_ =	shalt  }
0x6a: {  	_ =	shalt  }
0x6b: {  	_ =	shalt  }
0x6c: {  	_ =	shalt  }
0x6d: {  	_ =	shalt  }
0x6e: {  	_ =	shalt  }
0x6f: {  	_ =	shalt  }
0x70: {  	_ =	shalt  }
0x71: {  	_ =	shalt  }
0x72: {  	_ =	shalt  }
0x73: {  	_ =	shalt  }
0x74: {  	_ =	shalt  }
0x75: {  	_ =	shalt  }
0x76: {  	_ =	shalt  }
0x77: {  	_ =	shalt  }
0x78: {  	_ =	shalt  }
0x79: {  	_ =	shalt  }
0x7a: {  	_ =	shalt  }
0x7b: {  	_ =	shalt  }
0x7c: {  	_ =	shalt  }
0x7d: {  	_ =	shalt  }
0x7e: {  	_ =	shalt  }
0x7f: {  	_ =	shalt  }
0x80: {  	_ =	shalt  }
0x81: {  	_ =	shalt  }
0x82: {  	_ =	shalt  }
0x83: {  	_ =	shalt  }
0x84: {  	_ =	shalt  }
0x85: {  	_ =	shalt  }
0x86: {  	_ =	shalt  }
0x87: {  	_ =	shalt  }
.Lfunc_end0:
.L_simem_size_0:
called_computation.2_lowered:
.L_overlay_start_0:
0x88: {  	s2 =	sld [smem:$0x3FD9]  }
0x89: {  	s3 =	sld [smem:$0x3FFE];
	_ =	sdelay $0x1  }
0x8a: {  	s1 =	srdreg.scid  }
0x8b: {  	s0 =	sand.u32 $0x1, s1  }
0x8c: {  	s16 =	sshll.u32 s0, $0xA;
	s2 =	sadd.s32 s3, s2  }
0x8d: {  	s2 =	sadd.s32 s2, s16  }
0x8e: {  	[smem:$0x3FBE] =	sst s2  }
0x8f: {  	_ = 	snop  }
0x90: {  	(tm) =	ssettm $0x1  }
0x91: {  	s17 =	sld [smem:$0x3FFB];
	_ =	sdelay $0x3  }
0x92: {  	_ =	strace s17  }
0x93: {  	s2 =	sld [smem:$0x3FFC];
	_ =	sdelay $0x3  }
0x94: {  	_ =	strace s2  }
0x95: {  	s2 =	sld [smem:$0x3FFD];
	_ =	sdelay $0x3  }
0x96: {  	_ =	strace s2  }
0x97: {  	_ =	strace $0x8FFFFFFF  }
0x98: {  	s18 =	sld [smem:$0x3FDB];
	_ =	sdelay $0x1  }
0x99: {  	s19 =	simm.s32 $_scs_section_size  }
0x9a: {  	s4 =	simm.s32 $_size__tile_overlayer_lowered;
	s5 =	simm.s32 $_tile_overlayer_lowered  }
0x9b: {  	s22 =	simm.s32 $0x1BFF;
	s21 =	sshll.u32 s5, $0x1;
	s2 =	sadd.s32 s19, s18  }
0x9c: {  	s6 =	simm.s32 $0x0;
	s20 =	sshll.u32 s4, $0x1;
	s4 =	sadd.s32 s21, s2  }
0x9d: {  	[timem:s6], [sflag:s22] =	dma.local [hbm:s4], s20  }
0x9e: {  	_ =	swait.ge [sflag:s22], s20  }
0x9f: {  	s3 =	ssub.s32 $0x0, s20;
	[sflag:s22] =	ssyncset.done $0x0  }
0xa0: {  	[sflag:s22] =	ssyncadd.s32 s3;
	_ =	sdelay $0x1  }
0xa1: {  	s23 =	simm.s32 $0x1B8B  }
0xa2: {  	_ =	swait.ge [sflag:s23], $0x1  }
0xa3: {  	[sflag:s23] =	ssyncset.done $0x0  }
0xa4: {  	s25 =	simm.s32 $0x1B8E;
	s24 =	sld [smem:$0x3FFE];
	[sflag:s23] =	ssyncadd.s32 $0xFFFFFFFF  }
0xa5: {  	s26 =	simm.s32 $execute0_lowered;
	[smem:$0x3FD2] =	sst s25  }
0xa6: {  	s4 =	sshll.u32 s26, $0x1;
	_ =	strace $0x8000004C;
	[dreg:$0x1] =	wrdreg $0xFFFFFFFF  }
0xa7: {  	s28 =	simm.s32 $_size_execute0_lowered;
	s2 =	sadd.s32 s2, s4;
	[dreg:$0x0] =	wrdreg $0x0  }
0xa8: {  	s4 =	sshll.u32 s28, $0x1;
	[dreg:$0x2] =	wrdreg s2  }
0xa9: {  	[dreg:$0x3] =	wrdreg s4  }
0xaa: {  	[dreg:$0x4] =	wrdreg $0xC0  }
0xab: {  	_ =	task [dreg:s6], $0x5FFFF  }
0xac: {  	[dreg:$0x1] =	wrdreg $0xFFFFFFFF  }
0xad: {  	[dreg:$0x0] =	wrdreg $0x60  }
0xae: {  	[dreg:$0x2] =	wrdreg s24  }
0xaf: {  	[dreg:$0x3] =	wrdreg $0xC0000  }
0xb0: {  	[dreg:$0x4] =	wrdreg $0x70000  }
0xb1: {  	[dreg:$0x5] =	wrdreg $0x9  }
0xb2: {  	_ =	task.clear_ibuf [dreg:s6], $0x6FFFF;
	_ =	strace $0x9000004C  }
0xb3: {  	s29 =	simm.s32 $0x9;
	_ =	strace $0x8000004E  }
0xb4: {  	_ =	swait.ge [sflag:s29], $0x1  }
0xb5: {  	[sflag:s29] =	ssyncadd.s32 $0xFFFFFFFF  }
0xb6: {  	_ =	strace $0x9000004E  }
0xb7: {  	_ =	sfence  }
0xb8: {  	s30 =	sld [smem:$0x0];
	_ =	sdelay $0x2  }
0xb9: {  	s31 =	sshll.u32 s1, $0xD;
	s1 =	sshrl.u32 s1, $0x2  }
0xba: {  	s3 =	sand.u32 $0x4000, s31;
	s1 =	sadd.s32 s1, s30  }
0xbb: {  	s0 =	sor.u32 s3, s0;
	s1 =	sshll.u32 s1, $0x11  }
0xbc: {  	s0 =	sor.u32 s1, s0  }
0xbd: {  	s0 =	sadd.s32 $0x8F2B, s0  }
0xbe: {  	[sflag:s0] =	ssyncadd.remote.s32 $0x1  }
0xbf: {  	_ =	sfence.sel $0xFFFF  }
0xc0: {  	[dreg:$0x0] =	wrdreg $0xFFFFFFFF;
	(pc) =	sbr.abs _section_cstart, $3  }
0xc1: {  	[dreg:$0x1] =	wrdreg $0xFFFFFFFF  }
0xc2: {  	_ =	task.clear_ibuf [dreg:s6], $0x2FFFF;
	_ =	strace $0x9FFFFFFF  }
0xc3: {  	(tm) =	ssettm $0x7FFFFFFF  }
tec
execute0_lowered:
.L_overlay_start_1:
0x0: {  	(tag) =	ssettag $0x1  }
0x1: {  	s5 =	rddreg [dreg:$0x0]  }
0x2: {  	s2 =	rddreg [dreg:$0x1]  }
0x3: {  	s3 =	rddreg [dreg:$0x2];
	s4 =	srdreg.scid  }
0x4: {  	s1 =	stileid.u32;
	s0 =	rddreg [dreg:$0x3];
	s16 =	simm.s32 $0x5000  }
0x5: {  	s17 =	simm.s32 $0x1;
	s18 =	simm.s32 $0x6000;
	s19 =	simm.s32 $0x2  }
0x6: {  	s20 =	simm.s32 $0x2780;
	s21 =	simm.s32 $0x4F00;
	s22 =	simm.s32 $0x4F80  }
0x7: {  	s11 =	sand.u32 $0x1, s4;
	s6 =	sshll.u32 s1, $0x1;
	s4 =	simm.s32 $0x0  }
0x8: {  	s7 =	smul.u32 $0xA000, s1;
	s31 =	sshll.u32 s1, $0x6;
	s6 =	sor.u32 s11, s6  }
0x9: {  	[smem:$0x7FF] =	sst s4;
	s8 =	smul.u32 $0xA000, s11;
	s29 =	ssub.s32 $0x2, s11  }
0xa: {  	p0 =	seq.s32 s11, $0x0;
	s6 =	smul.u32 $0x500, s6;
	_ =	strace $0x8000004D  }
0xb: {  	s23 =	sshrl.u32 s7, $0x4;
	s30 =	sshrl.u32 s29, $0x1;
	s7 =	sshrl.u32 s7, $0x1  }
0xc: {  	s10 =	sadd.s32 s23, s5;
	s12 =	sadd.s32 s8, s5;
	s13 =	ssub.s32 s29, s30  }
0xd: {  	s14 =	sadd.s32 s7, s2;
	s15 =	sadd.s32 s7, s3;
	s9 =	sadd.s32 s6, s5  }
0xe: {  	s5 =	sadd.s32 $0x16200, s10;
	s6 =	sor.u32 $0x1C03, s31;
	s7 =	sadd.s32 $0xC200, s10  }
0xf: {  	s24 =	sadd.s32 $0x39400, s12;
	s10 =	smax.u32 s13, $0x1;
	s11 =	sshrl.u32 s14, $0x3  }
0x10: {  	s12 =	simm.s32 $0x3;
	s13 =	sshrl.u32 s15, $0x3;
	s14 =	simm.s32 $0x2800  }
0x11: {  	s15 =	simm.s32 $0x80;
	s8 =	sadd.s32 $0x2F400, s9;
	s9 =	sadd.s32 $0x2200, s9  }
0x12: {  	s7 =	smov.u32 @p0 s5;
	s23 =	sadd.s32 s23, s24;
	s24 =	simm.s32 $0x0  }
.LBB2_1:
0x13: {  	[spmem:s11], [sflag:s6] =	dma.local [hbm:s5], $0xA00  }
0x14: {  	_ =	swait.ge [sflag:s12], $0xA00  }
0x15: {  	[sflag:s12] =	ssyncset.done $0x0  }
0x16: {  	[sflag:s12] =	ssyncadd.s32 $0xFFFFF600  }
0x17: {  	[spmem:s13], [sflag:s6] =	dma.local [hbm:s7], $0xA00  }
0x18: {  	_ =	swait.ge [sflag:s12], $0xA00  }
0x19: {  	[sflag:s12] =	ssyncset.done $0x0  }
0x1a: {  	[sflag:s12] =	ssyncadd.s32 $0xFFFFF600  }
0x1b: {  	[tilespmem:s4], [sflag:$0x3] =	stream.linear.gather [hbm4b:s8+s4], $0x2800, $0x38;
	[tilespmem:$0x11000] =	vst v63  }
0x1c: {  	_ =	swait.ge [sflag:s12], $0x2800  }
0x1d: {  	[sflag:s12] =	ssyncset.done $0x0  }
0x1e: {  	[sflag:s12] =	ssyncadd.s32 $0xFFFFD800  }
0x1f: {  	[tilespmem:s14], [sflag:$0x3] =	stream.linear.gather [hbm4b:s9+s4], $0x2800, $0x38;
	[tilespmem:$0x11000] =	vst v63  }
0x20: {  	_ =	swait.ge [sflag:s12], $0x2800  }
0x21: {  	[sflag:s12] =	ssyncset.done $0x0  }
0x22: {  	[sflag:s12] =	ssyncadd.s32 $0xFFFFD800  }
0x23: {  	[bflag:$0x0] =	sbarrier.arrive $0xFFFF  }
0x24: {  	[tilespmem:s16], [sflag:$0x1] =	stream.indirect.gather [spmem:s2], $0x20, s4, s15, $0xb8;
	[tilespmem:$0x11000] =	vst v63  }
0x25: {  	_ =	swait.ge [sflag:s17], $0x1000  }
0x26: {  	[sflag:s17] =	ssyncset.done $0x0  }
0x27: {  	s25 =	simm.s32 $0x80;
	[sflag:s17] =	ssyncadd.s32 $0xFFFFF000  }
0x28: {  	[tilespmem:s18], [sflag:$0x2] =	stream.indirect.gather [spmem:s2], $0x20, s25, s15, $0xb8;
	[tilespmem:$0x11000] =	vst v63  }
0x29: {  	s29 =	simm.s32 $0x2800  }
0x2a: {  	[spmem:s3] =	stream.indirect.scatter.add.bf16 [tilespmem:s16], [sflag:$0x3], $0x20, s29, s15, $0xb8;
	[tilespmem:$0x11000] =	vst v63  }
0x2b: {  	_ =	swait.ge [sflag:s12], $0x1000  }
0x2c: {  	[sflag:s12] =	ssyncset.done $0x0  }
0x2d: {  	[sflag:s12] =	ssyncadd.s32 $0xFFFFF000  }
0x2e: {  	_ =	swait.ge [sflag:s19], $0x1000  }
0x2f: {  	[sflag:s19] =	ssyncset.done $0x0  }
0x30: {  	s30 =	simm.s32 $0x100;
	[sflag:s19] =	ssyncadd.s32 $0xFFFFF000  }
0x31: {  	[tilespmem:s16], [sflag:$0x1] =	stream.indirect.gather [spmem:s2], $0x20, s30, s15, $0xb8;
	[tilespmem:$0x11000] =	vst v63  }
0x32: {  	s31 =	simm.s32 $0x2880  }
0x33: {  	[spmem:s3] =	stream.indirect.scatter.add.bf16 [tilespmem:s18], [sflag:$0x3], $0x20, s31, s15, $0xb8;
	[tilespmem:$0x11000] =	vst v63  }
0x34: {  	_ =	swait.ge [sflag:s12], $0x1000  }
0x35: {  	[sflag:s12] =	ssyncset.done $0x0  }
0x36: {  	[sflag:s12] =	ssyncadd.s32 $0xFFFFF000  }
0x37: {  	_ =	swait.ge [sflag:s17], $0x1000  }
0x38: {  	s26 =	simm.s32 $0x800;
	s25 =	simm.s32 $0x100;
	[sflag:s17] =	ssyncset.done $0x0  }
.LBB2_2:
0x39: {  	s28 =	sadd.s32 $0x80, s25  }
0x3a: {  	[sflag:s17] =	ssyncadd.s32 $0xFFFFF000;
	s29 =	smov.u32 s26;
	s30 =	sadd.s32 $0x400, s26  }
0x3b: {  	[tilespmem:s18], [sflag:$0x2] =	stream.indirect.gather [spmem:s2], $0x20, s28, s15, $0xb8;
	[tilespmem:$0x11000] =	vst v63  }
0x3c: {  	p0 =	sne.s32 s26, $0x9800;
	s26 =	sadd.s32 $0x2800, s25  }
0x3d: {  	[spmem:s3] =	stream.indirect.scatter.add.bf16 [tilespmem:s16], [sflag:$0x3], $0x20, s26, s15, $0xb8;
	[tilespmem:$0x11000] =	vst v63  }
0x3e: {  	_ =	swait.ge [sflag:s12], $0x1000  }
0x3f: {  	[sflag:s12] =	ssyncset.done $0x0  }
0x40: {  	[sflag:s12] =	ssyncadd.s32 $0xFFFFF000  }
0x41: {  	_ =	swait.ge [sflag:s19], $0x1000  }
0x42: {  	[sflag:s19] =	ssyncset.done $0x0  }
0x43: {  	s26 =	sadd.s32 $0x100, s25;
	[sflag:s19] =	ssyncadd.s32 $0xFFFFF000  }
0x44: {  	[tilespmem:s16], [sflag:$0x1] =	stream.indirect.gather [spmem:s2], $0x20, s26, s15, $0xb8;
	[tilespmem:$0x11000] =	vst v63  }
0x45: {  	s25 =	sadd.s32 $0x2880, s25  }
0x46: {  	[spmem:s3] =	stream.indirect.scatter.add.bf16 [tilespmem:s18], [sflag:$0x3], $0x20, s25, s15, $0xb8;
	[tilespmem:$0x11000] =	vst v63  }
.Ltmp0:
0x47: {  	_ =	swait.ge [sflag:s12], $0x1000;
	(pc) =	sbr.rel @p0 .LBB2_2-.Ltmp0, $4  }
0x48: {  	[sflag:s12] =	ssyncset.done $0x0  }
0x49: {  	[sflag:s12] =	ssyncadd.s32 $0xFFFFF000  }
0x4a: {  	_ =	swait.ge [sflag:s17], $0x1000  }
0x4b: {  	s26 =	smov.u32 s30;
	s25 =	sshra.s32 s29, $0x2;
	[sflag:s17] =	ssyncset.done $0x0  }
0x4c: {  	s26 =	sadd.s32 $0x80, s25;
	[sflag:s17] =	ssyncadd.s32 $0xFFFFF000  }
0x4d: {  	[tilespmem:s18], [sflag:$0x2] =	stream.indirect.gather [spmem:s2], $0x20, s26, s15, $0xb8;
	[tilespmem:$0x11000] =	vst v63  }
0x4e: {  	s29 =	sadd.s32 $0x2800, s25  }
0x4f: {  	[spmem:s3] =	stream.indirect.scatter.add.bf16 [tilespmem:s16], [sflag:$0x3], $0x20, s29, s15, $0xb8;
	[tilespmem:$0x11000] =	vst v63  }
0x50: {  	_ =	swait.ge [sflag:s12], $0x1000  }
0x51: {  	[sflag:s12] =	ssyncset.done $0x0  }
0x52: {  	[sflag:s12] =	ssyncadd.s32 $0xFFFFF000  }
0x53: {  	_ =	swait.ge [sflag:s19], $0x1000  }
0x54: {  	[sflag:s19] =	ssyncset.done $0x0  }
0x55: {  	s30 =	sadd.s32 $0x100, s25;
	[sflag:s19] =	ssyncadd.s32 $0xFFFFF000  }
0x56: {  	[tilespmem:s16], [sflag:$0x1] =	stream.indirect.gather [spmem:s2], $0x20, s30, s15, $0xb8;
	[tilespmem:$0x11000] =	vst v63  }
0x57: {  	s31 =	sadd.s32 $0x2880, s25  }
0x58: {  	[spmem:s3] =	stream.indirect.scatter.add.bf16 [tilespmem:s18], [sflag:$0x3], $0x20, s31, s15, $0xb8;
	[tilespmem:$0x11000] =	vst v63  }
0x59: {  	_ =	swait.ge [sflag:s12], $0x1000  }
0x5a: {  	[sflag:s12] =	ssyncset.done $0x0  }
0x5b: {  	[sflag:s12] =	ssyncadd.s32 $0xFFFFF000  }
0x5c: {  	_ =	swait.ge [sflag:s17], $0x1000  }
0x5d: {  	[sflag:s17] =	ssyncset.done $0x0  }
0x5e: {  	[sflag:s17] =	ssyncadd.s32 $0xFFFFF000  }
0x5f: {  	[tilespmem:s18], [sflag:$0x2] =	stream.indirect.gather [spmem:s2], $0x20, s20, s15, $0xb8;
	[tilespmem:$0x11000] =	vst v63  }
0x60: {  	_ = 	snop  }
0x61: {  	[spmem:s3] =	stream.indirect.scatter.add.bf16 [tilespmem:s16], [sflag:$0x3], $0x20, s21, s15, $0xb8;
	[tilespmem:$0x11000] =	vst v63  }
0x62: {  	_ =	swait.ge [sflag:s12], $0x1000  }
0x63: {  	[sflag:s12] =	ssyncset.done $0x0  }
0x64: {  	[sflag:s12] =	ssyncadd.s32 $0xFFFFF000  }
0x65: {  	_ =	swait.ge [sflag:s19], $0x1000  }
0x66: {  	[sflag:s19] =	ssyncset.done $0x0  }
0x67: {  	[sflag:s19] =	ssyncadd.s32 $0xFFFFF000  }
0x68: {  	[spmem:s3] =	stream.indirect.scatter.add.bf16 [tilespmem:s18], [sflag:$0x3], $0x20, s22, s15, $0xb8;
	[tilespmem:$0x11000] =	vst v63  }
0x69: {  	_ =	swait.ge [sflag:s12], $0x1000  }
0x6a: {  	s24 =	sadd.s32 $0x1, s24;
	[sflag:s12] =	ssyncset.done $0x0  }
0x6b: {  	p0 =	sne.s32 s24, s10;
	[sflag:s12] =	ssyncadd.s32 $0xFFFFF000  }
.Ltmp1:
0x6c: {  	[bflag:$0x0] =	sbarrier.arrive $0xFFFF;
	(pc) =	sbr.rel @p0 .LBB2_1-.Ltmp1, $4  }
0x6d: {  	[hbm:s23], [sflag:s6] =	dma.local [spmem:s13], $0xA00  }
0x6e: {  	_ =	swait.ge [sflag:s12], $0xA00  }
0x6f: {  	[sflag:s12] =	ssyncset.done $0x0  }
0x70: {  	[sflag:s12] =	ssyncadd.s32 $0xFFFFF600  }
0x71: {  	_ =	sfence.sel $0x180000  }
0x72: {  	[bflag:$0x0] =	sbarrier.arrive $0xFFFF  }
0x73: {  	p0 =	sne.s32 s1, $0x0;
	_ =	strace $0x9000004D  }
0x74: {  	s0 =	sadd.s32 @!p0 $0x100000, s0;
	[bflag:$0x2] =	sbarrier.arrive $0xFFFF  }
0x75: {  	[sflag:s0] =	ssyncadd.tile.s32 @!p0 $0x1;
	_ =	shalt  }
.Lfunc_end2:
_tile_overlayer_lowered:
.L_overlay_start_2:
0x76: {  	(tag) =	ssettag $0x2  }
0x77: {  	s0 =	rddreg [dreg:$0x0];
	s2 =	stileid.u32  }
0x78: {  	s1 =	rddreg [dreg:$0x1];
	p0 =	sne.s32 s2, $0x0  }
0x79: {  	s3 =	rddreg [dreg:$0x2];
	[bflag:$0x3] =	sbarrier.arrive $0xFFFF;
	s2 =	simm.s32 @!p0 $0x1C03  }
0x7a: {  	[timem:s3], [sflag:s2] =	dma.local @!p0 [hbm:s0], s1  }
0x7b: {  	s0 =	simm.s32 @!p0 $0x3  }
0x7c: {  	_ =	swait.ge @!p0 [sflag:s0], s1  }
0x7d: {  	s1 =	ssub.s32 @!p0 $0x0, s1;
	[sflag:s0] =	ssyncset.done @!p0 $0x0  }
0x7e: {  	[sflag:s0] =	ssyncadd.s32 @!p0 s1  }
0x7f: {  	[bflag:$0x3] =	sbarrier.arrive $0xFFFF  }
0x80: {  	_ =	shalt  }

// kernel: kernel.8.cloned.1.call-start
scs
__scs_entry_jumppad:
0x0: {  	(pc) =	sbr.rel $0x88, $3  }
0x1: {  	(tag) =	ssettag $0x0;
	lr =	simm.s32 $0x1  }
0x2: {  	[smem:$0x3F97] =	sst lr;
	_ =	strace $0xD0000000  }
0x3: {  	_ = 	snop  }
0x4: {  	_ = 	snop  }
0x5: {  	_ = 	snop  }
0x6: {  	_ = 	snop  }
0x7: {  	_ = 	snop  }
__scs_overlays_trampoline_lowered:
0x8: {  	[smem:$0x3FA6] =	sst s0  }
0x9: {  	[smem:$0x3FA7] =	sst s1  }
0xa: {  	[smem:$0x3FA8] =	sst s2  }
0xb: {  	[smem:$0x3FA9] =	sst s3  }
0xc: {  	[smem:$0x3FAA] =	sst s4  }
0xd: {  	[smem:$0x3FAB] =	sst s5  }
0xe: {  	[smem:$0x3FAC] =	sst s6  }
0xf: {  	[smem:$0x3FAD] =	sst s7  }
0x10: {  	[smem:$0x3FAE] =	sst s8  }
0x11: {  	[smem:$0x3FAF] =	sst s9;
	s0 =	simm.s32 @!p0 $0x0  }
0x12: {  	s1 =	sld [smem:$0x3F95];
	s0 =	simm.s32 @p0 $0x1  }
0x13: {  	[smem:$0x3FB0] =	sst s0;
	s0 =	simm.s32 @!p1 $0x0  }
0x14: {  	s2 =	sld [smem:$0x3F94];
	s0 =	simm.s32 @p1 $0x1  }
0x15: {  	[smem:$0x3FB1] =	sst s0;
	s0 =	simm.s32 @!p2 $0x0  }
0x16: {  	s3 =	sld [smem:$0x3FDB];
	s0 =	simm.s32 @p2 $0x1  }
0x17: {  	s4 =	simm.s32 $0x1BF5;
	[smem:$0x3FB3] =	sst s0  }
0x18: {  	s0 =	sld [smem:$0x3F96];
	_ =	swait.ge [sflag:s4], $0x0  }
0x19: {  	s7 =	sld [smem:$0x3F97]  }
0x1a: {  	s8 =	sadd.s32 $0xFFFFE003, lr  }
0x1b: {  	s9 =	sadd.s32 $0xFFFFFEF7, lr;
	s5 =	simm.s32 $0xFFFFFFFF;
	p2 =	slt.u32 s8, $0xFFFFF086  }
0x1c: {  	p1 =	slt.u32 s9, $0xF7A;
	s5 =	simm.s32 @!p2 $0x0  }
0x1d: {  	s5 =	simm.s32 @p1 $0x1;
	p0 =	seq.s32 s7, s2  }
0x1e: {  	s7 =	smul.u32 @!p0 $0xF7A, s2;
	p2 =	seq.s32 @!p0 s5, $0x0  }
0x1f: {  	s9 =	smul.u32 $0xF7A, s1;
	s8 =	simm.s32 @!p0 $0x1BF5;
	p2 =	por !p2, p0  }
0x20: {  	[sflag:s8] =	ssyncset.s32 @!p0 $0xFFFFF086;
	s6 =	sadd.s32 @!p0 s3, s7;
	s7 =	simm.s32 @!p0 $0x108  }
0x21: {  	s3 =	sadd.s32 s3, s9;
	s6 =	sadd.s32 @!p0 $0x88, s6;
	s7 =	simm.s32 @p2 $0x1082  }
0x22: {  	[simem:s7], [sflag:s8] =	dma.local @!p0 [hbm:s6], $0xF7A  }
0x23: {  	s9 =	sor.u32 $0xD0000000, s2;
	s6 =	simm.s32 $0x108;
	_ =	swait.ge @!p0 [sflag:s8], $0x0  }
0x24: {  	s3 =	sadd.s32 $0x88, s3;
	s6 =	simm.s32 @!p1 $0x1082;
	[sflag:s4] =	ssyncset.s32 $0xFFFFF086  }
0x25: {  	[simem:s6], [sflag:s4] =	dma.local [hbm:s3], $0xF7A  }
0x26: {  	[smem:$0x3F97] =	sst s1;
	(tag) =	ssettag s2;
	_ =	strace s9  }
0x27: {  	s1 =	sld [smem:$0x3FA7]  }
0x28: {  	s2 =	sld [smem:$0x3FA8]  }
0x29: {  	s4 =	sld [smem:$0x3FAA]  }
0x2a: {  	p0 =	seq.s32 s5, $0x0;
	s5 =	sld [smem:$0x3FAB]  }
0x2b: {  	s6 =	sld [smem:$0x3FAC]  }
0x2c: {  	s7 =	sld [smem:$0x3FAD]  }
0x2d: {  	s3 =	simm.s32 $0x108;
	s8 =	sld [smem:$0x3FAE]  }
0x2e: {  	s3 =	simm.s32 @!p0 $0x1082;
	s9 =	sld [smem:$0x3FAF]  }
0x2f: {  	lr =	sadd.s32 s0, s3;
	s0 =	sld [smem:$0x3FA6]  }
0x30: {  	s3 =	sld [smem:$0x3FA9]  }
0x31: {  	[smem:$0x3FB2] =	sst s10  }
0x32: {  	s10 =	sld [smem:$0x3FB0];
	_ =	sdelay $0x3  }
0x33: {  	p0 =	seq.s32 s10, $0x1;
	s10 =	sld [smem:$0x3FB2];
	_ =	sdelay $0x3  }
0x34: {  	[smem:$0x3FB2] =	sst s10  }
0x35: {  	s10 =	sld [smem:$0x3FB1];
	_ =	sdelay $0x3  }
0x36: {  	p1 =	seq.s32 s10, $0x1;
	s10 =	sld [smem:$0x3FB2];
	_ =	sdelay $0x3  }
0x37: {  	[smem:$0x3FB2] =	sst s10  }
0x38: {  	s10 =	sld [smem:$0x3FB3]  }
0x39: {  	_ = 	snop;
	(pc) =	sbr.ind lr, $3  }
0x3a: {  	_ = 	snop  }
0x3b: {  	_ = 	snop  }
0x3c: {  	p2 =	seq.s32 s10, $0x1;
	s10 =	sld [smem:$0x3FB2]  }
0x3d: {  	_ =	shalt  }
0x3e: {  	_ =	shalt  }
0x3f: {  	_ =	shalt  }
0x40: {  	_ =	shalt  }
0x41: {  	_ =	shalt  }
0x42: {  	_ =	shalt  }
0x43: {  	_ =	shalt  }
0x44: {  	_ =	shalt  }
0x45: {  	_ =	shalt  }
0x46: {  	_ =	shalt  }
0x47: {  	_ =	shalt  }
0x48: {  	_ =	shalt  }
0x49: {  	_ =	shalt  }
0x4a: {  	_ =	shalt  }
0x4b: {  	_ =	shalt  }
0x4c: {  	_ =	shalt  }
0x4d: {  	_ =	shalt  }
0x4e: {  	_ =	shalt  }
0x4f: {  	_ =	shalt  }
0x50: {  	_ =	shalt  }
0x51: {  	_ =	shalt  }
0x52: {  	_ =	shalt  }
0x53: {  	_ =	shalt  }
0x54: {  	_ =	shalt  }
0x55: {  	_ =	shalt  }
0x56: {  	_ =	shalt  }
0x57: {  	_ =	shalt  }
0x58: {  	_ =	shalt  }
0x59: {  	_ =	shalt  }
0x5a: {  	_ =	shalt  }
0x5b: {  	_ =	shalt  }
0x5c: {  	_ =	shalt  }
0x5d: {  	_ =	shalt  }
0x5e: {  	_ =	shalt  }
0x5f: {  	_ =	shalt  }
0x60: {  	_ =	shalt  }
0x61: {  	_ =	shalt  }
0x62: {  	_ =	shalt  }
0x63: {  	_ =	shalt  }
0x64: {  	_ =	shalt  }
0x65: {  	_ =	shalt  }
0x66: {  	_ =	shalt  }
0x67: {  	_ =	shalt  }
0x68: {  	_ =	shalt  }
0x69: {  	_ =	shalt  }
0x6a: {  	_ =	shalt  }
0x6b: {  	_ =	shalt  }
0x6c: {  	_ =	shalt  }
0x6d: {  	_ =	shalt  }
0x6e: {  	_ =	shalt  }
0x6f: {  	_ =	shalt  }
0x70: {  	_ =	shalt  }
0x71: {  	_ =	shalt  }
0x72: {  	_ =	shalt  }
0x73: {  	_ =	shalt  }
0x74: {  	_ =	shalt  }
0x75: {  	_ =	shalt  }
0x76: {  	_ =	shalt  }
0x77: {  	_ =	shalt  }
0x78: {  	_ =	shalt  }
0x79: {  	_ =	shalt  }
0x7a: {  	_ =	shalt  }
0x7b: {  	_ =	shalt  }
0x7c: {  	_ =	shalt  }
0x7d: {  	_ =	shalt  }
0x7e: {  	_ =	shalt  }
0x7f: {  	_ =	shalt  }
0x80: {  	_ =	shalt  }
0x81: {  	_ =	shalt  }
0x82: {  	_ =	shalt  }
0x83: {  	_ =	shalt  }
0x84: {  	_ =	shalt  }
0x85: {  	_ =	shalt  }
0x86: {  	_ =	shalt  }
0x87: {  	_ =	shalt  }
.Lfunc_end0:
.L_simem_size_0:
called_computation_lowered:
.L_overlay_start_0:
0x88: {  	s2 =	sld [smem:$0x3FD9]  }
0x89: {  	s3 =	sld [smem:$0x3FFE];
	_ =	sdelay $0x1  }
0x8a: {  	s1 =	srdreg.scid  }
0x8b: {  	s0 =	sand.u32 $0x1, s1  }
0x8c: {  	s16 =	sshll.u32 s0, $0xA;
	s2 =	sadd.s32 s3, s2  }
0x8d: {  	s2 =	sadd.s32 s2, s16  }
0x8e: {  	[smem:$0x3FBE] =	sst s2  }
0x8f: {  	_ = 	snop  }
0x90: {  	(tm) =	ssettm $0x1  }
0x91: {  	s17 =	sld [smem:$0x3FFB];
	_ =	sdelay $0x3  }
0x92: {  	_ =	strace s17  }
0x93: {  	s2 =	sld [smem:$0x3FFC];
	_ =	sdelay $0x3  }
0x94: {  	_ =	strace s2  }
0x95: {  	s2 =	sld [smem:$0x3FFD];
	_ =	sdelay $0x3  }
0x96: {  	_ =	strace s2  }
0x97: {  	_ =	strace $0x8FFFFFFF  }
0x98: {  	s18 =	sld [smem:$0x3FDB];
	_ =	sdelay $0x1  }
0x99: {  	s19 =	simm.s32 $_scs_section_size  }
0x9a: {  	s4 =	simm.s32 $_size__tile_overlayer_lowered;
	s5 =	simm.s32 $_tile_overlayer_lowered  }
0x9b: {  	s22 =	simm.s32 $0x1BFF;
	s21 =	sshll.u32 s5, $0x1;
	s2 =	sadd.s32 s19, s18  }
0x9c: {  	s6 =	simm.s32 $0x0;
	s20 =	sshll.u32 s4, $0x1;
	s4 =	sadd.s32 s21, s2  }
0x9d: {  	[timem:s6], [sflag:s22] =	dma.local [hbm:s4], s20  }
0x9e: {  	_ =	swait.ge [sflag:s22], s20  }
0x9f: {  	s3 =	ssub.s32 $0x0, s20;
	[sflag:s22] =	ssyncset.done $0x0  }
0xa0: {  	[sflag:s22] =	ssyncadd.s32 s3;
	_ =	sdelay $0x1  }
0xa1: {  	s23 =	simm.s32 $0x1B8B  }
0xa2: {  	_ =	swait.ge [sflag:s23], $0x1  }
0xa3: {  	[sflag:s23] =	ssyncset.done $0x0  }
0xa4: {  	s25 =	simm.s32 $0x1B8E;
	s24 =	sld [smem:$0x3FFE];
	[sflag:s23] =	ssyncadd.s32 $0xFFFFFFFF  }
0xa5: {  	s26 =	simm.s32 $execute0_lowered;
	[smem:$0x3FD2] =	sst s25  }
0xa6: {  	s4 =	sshll.u32 s26, $0x1;
	_ =	strace $0x80000046;
	[dreg:$0x1] =	wrdreg $0xFFFFFFFF  }
0xa7: {  	s28 =	simm.s32 $_size_execute0_lowered;
	s2 =	sadd.s32 s2, s4;
	[dreg:$0x0] =	wrdreg $0x0  }
0xa8: {  	s4 =	sshll.u32 s28, $0x1;
	[dreg:$0x2] =	wrdreg s2  }
0xa9: {  	[dreg:$0x3] =	wrdreg s4  }
0xaa: {  	[dreg:$0x4] =	wrdreg $0xC0  }
0xab: {  	_ =	task [dreg:s6], $0x5FFFF  }
0xac: {  	[dreg:$0x1] =	wrdreg $0xFFFFFFFF  }
0xad: {  	[dreg:$0x0] =	wrdreg $0x60  }
0xae: {  	[dreg:$0x2] =	wrdreg s24  }
0xaf: {  	[dreg:$0x3] =	wrdreg $0x30000  }
0xb0: {  	[dreg:$0x4] =	wrdreg $0x9  }
0xb1: {  	_ =	task.clear_ibuf [dreg:s6], $0x5FFFF;
	_ =	strace $0x90000046  }
0xb2: {  	s29 =	simm.s32 $0x9;
	_ =	strace $0x80000048  }
0xb3: {  	_ =	swait.ge [sflag:s29], $0x1  }
0xb4: {  	[sflag:s29] =	ssyncadd.s32 $0xFFFFFFFF  }
0xb5: {  	_ =	strace $0x90000048  }
0xb6: {  	_ =	sfence  }
0xb7: {  	s30 =	sld [smem:$0x0];
	_ =	sdelay $0x2  }
0xb8: {  	s31 =	sshll.u32 s1, $0xD;
	s1 =	sshrl.u32 s1, $0x2  }
0xb9: {  	s3 =	sand.u32 $0x4000, s31;
	s1 =	sadd.s32 s1, s30  }
0xba: {  	s0 =	sor.u32 s3, s0;
	s1 =	sshll.u32 s1, $0x11  }
0xbb: {  	s0 =	sor.u32 s1, s0  }
0xbc: {  	s0 =	sadd.s32 $0x8F2B, s0  }
0xbd: {  	[sflag:s0] =	ssyncadd.remote.s32 $0x1  }
0xbe: {  	_ =	sfence.sel $0xFFFF  }
0xbf: {  	[dreg:$0x0] =	wrdreg $0xFFFFFFFF;
	(pc) =	sbr.abs _section_cstart, $3  }
0xc0: {  	[dreg:$0x1] =	wrdreg $0xFFFFFFFF  }
0xc1: {  	_ =	task.clear_ibuf [dreg:s6], $0x2FFFF;
	_ =	strace $0x9FFFFFFF  }
0xc2: {  	(tm) =	ssettm $0x7FFFFFFF  }
0xc3: {  	_ =	shalt  }
tec
execute0_lowered:
.L_overlay_start_1:
0x0: {  	(tag) =	ssettag $0x1  }
0x1: {  	s5 =	rddreg [dreg:$0x0];
	s1 =	srdreg.scid  }
0x2: {  	s0 =	stileid.u32;
	s2 =	rddreg [dreg:$0x1]  }
0x3: {  	s3 =	simm.s32 $0x0;
	s13 =	simm.s32 $0x1;
	s14 =	simm.s32 $0x2  }
0x4: {  	s4 =	sand.u32 $0x1, s1;
	s6 =	sshll.u32 s0, $0x1;
	s1 =	rddreg [dreg:$0x2]  }
0x5: {  	[smem:$0x7FF] =	sst s3;
	s7 =	smul.u32 $0x2800, s0;
	s31 =	sshll.u32 s0, $0x6  }
0x6: {  	s6 =	sor.u32 s4, s6;
	_ =	strace $0x80000047;
	s29 =	smul.u32 $0x5000, s4  }
0x7: {  	s9 =	ssub.s32 $0x2, s4;
	s4 =	sadd.s32 $0x11200, s5;
	s6 =	smul.u32 $0x500, s6  }
0x8: {  	s15 =	sshrl.u32 s7, $0x3;
	s10 =	sshrl.u32 s9, $0x1;
	s30 =	sadd.s32 s7, s2  }
0x9: {  	s11 =	sadd.s32 s15, s5;
	s12 =	sadd.s32 s29, s5;
	s9 =	ssub.s32 s9, s10  }
0xa: {  	s10 =	simm.s32 $0x3;
	s8 =	sadd.s32 s6, s5;
	s5 =	sadd.s32 $0xC200, s11  }
0xb: {  	s6 =	sor.u32 $0x1C03, s31;
	s16 =	sadd.s32 $0x11400, s12;
	s11 =	simm.s32 $0x2800  }
0xc: {  	s12 =	simm.s32 $0x80;
	s7 =	sadd.s32 $0x2200, s8;
	s8 =	smax.u32 s9, $0x1  }
0xd: {  	s9 =	sshrl.u32 s30, $0x3;
	s15 =	sadd.s32 s15, s16;
	s16 =	simm.s32 $0x0  }
.LBB2_1:
0xe: {  	[spmem:s9], [sflag:s6] =	dma.local [hbm:s5], $0x500  }
0xf: {  	_ =	swait.ge [sflag:s10], $0x500  }
0x10: {  	[sflag:s10] =	ssyncset.done $0x0  }
0x11: {  	[sflag:s10] =	ssyncadd.s32 $0xFFFFFB00  }
0x12: {  	[tilespmem:s3], [sflag:$0x3] =	stream.linear.gather [hbm4b:s7+s3], $0x2800, $0x38;
	[tilespmem:$0x5800] =	vst v63  }
0x13: {  	_ =	swait.ge [sflag:s10], $0x2800  }
0x14: {  	[sflag:s10] =	ssyncset.done $0x0  }
0x15: {  	[sflag:s10] =	ssyncadd.s32 $0xFFFFD800  }
0x16: {  	[tilespmem:s11], [sflag:$0x3] =	stream.linear.gather [hbm4b:s4+s3], $0x800, $0x38;
	[tilespmem:$0x5800] =	vst v63  }
0x17: {  	_ =	swait.ge [sflag:s10], $0x800  }
0x18: {  	[sflag:s10] =	ssyncset.done $0x0  }
0x19: {  	[sflag:s10] =	ssyncadd.s32 $0xFFFFF800  }
0x1a: {  	s17 =	simm.s32 $0x0;
	[bflag:$0x0] =	sbarrier.arrive $0xFFFF  }
0x1b: {  	[spmem:s2] =	stream.indirect.scatter.add.f32 [tilespmem:s11], [sflag:$0x1], $0x10, s17, s12, $0xb8;
	[tilespmem:$0x5800] =	vst v63  }
0x1c: {  	s31 =	simm.s32 $0x80  }
0x1d: {  	[spmem:s2] =	stream.indirect.scatter.add.f32 [tilespmem:s11], [sflag:$0x2], $0x10, s31, s12, $0xb8;
	[tilespmem:$0x5800] =	vst v63  }
0x1e: {  	_ =	swait.ge [sflag:s13], $0x800  }
0x1f: {  	[sflag:s13] =	ssyncset.done $0x0  }
0x20: {  	[sflag:s13] =	ssyncadd.s32 $0xFFFFF800  }
0x21: {  	_ =	swait.ge [sflag:s14], $0x800  }
0x22: {  	s18 =	simm.s32 $0x800;
	s17 =	simm.s32 $0x400;
	[sflag:s14] =	ssyncset.done $0x0  }
.LBB2_2:
0x23: {  	s19 =	sshra.s32 s17, $0x2  }
0x24: {  	[sflag:s14] =	ssyncadd.s32 $0xFFFFF800;
	s17 =	smov.u32 s18;
	s20 =	sadd.s32 $0x400, s18  }
0x25: {  	[spmem:s2] =	stream.indirect.scatter.add.f32 [tilespmem:s11], [sflag:$0x1], $0x10, s19, s12, $0xb8;
	[tilespmem:$0x5800] =	vst v63  }
0x26: {  	p0 =	sne.s32 s18, $0x9C00;
	s18 =	sadd.s32 $0x80, s19  }
0x27: {  	[spmem:s2] =	stream.indirect.scatter.add.f32 [tilespmem:s11], [sflag:$0x2], $0x10, s18, s12, $0xb8;
	[tilespmem:$0x5800] =	vst v63  }
.Ltmp0:
0x28: {  	_ =	swait.ge [sflag:s13], $0x800;
	(pc) =	sbr.rel @p0 .LBB2_2-.Ltmp0, $4  }
0x29: {  	[sflag:s13] =	ssyncset.done $0x0  }
0x2a: {  	[sflag:s13] =	ssyncadd.s32 $0xFFFFF800  }
0x2b: {  	_ =	swait.ge [sflag:s14], $0x800  }
0x2c: {  	s18 =	smov.u32 s20;
	[sflag:s14] =	ssyncset.done $0x0  }
0x2d: {  	s17 =	sshra.s32 s17, $0x2;
	[sflag:s14] =	ssyncadd.s32 $0xFFFFF800  }
0x2e: {  	[spmem:s2] =	stream.indirect.scatter.add.f32 [tilespmem:s11], [sflag:$0x1], $0x10, s17, s12, $0xb8;
	[tilespmem:$0x5800] =	vst v63  }
0x2f: {  	s17 =	sadd.s32 $0x80, s17  }
0x30: {  	[spmem:s2] =	stream.indirect.scatter.add.f32 [tilespmem:s11], [sflag:$0x2], $0x10, s17, s12, $0xb8;
	[tilespmem:$0x5800] =	vst v63  }
0x31: {  	_ =	swait.ge [sflag:s13], $0x800  }
0x32: {  	[sflag:s13] =	ssyncset.done $0x0  }
0x33: {  	[sflag:s13] =	ssyncadd.s32 $0xFFFFF800  }
0x34: {  	_ =	swait.ge [sflag:s14], $0x800  }
0x35: {  	s16 =	sadd.s32 $0x1, s16;
	[sflag:s14] =	ssyncset.done $0x0  }
0x36: {  	p0 =	sne.s32 s16, s8;
	[sflag:s14] =	ssyncadd.s32 $0xFFFFF800  }
.Ltmp1:
0x37: {  	[bflag:$0x0] =	sbarrier.arrive $0xFFFF;
	(pc) =	sbr.rel @p0 .LBB2_1-.Ltmp1, $4  }
0x38: {  	[hbm:s15], [sflag:s6] =	dma.local [spmem:s9], $0x500  }
0x39: {  	_ =	swait.ge [sflag:s10], $0x500  }
0x3a: {  	[sflag:s10] =	ssyncset.done $0x0  }
0x3b: {  	[sflag:s10] =	ssyncadd.s32 $0xFFFFFB00  }
0x3c: {  	_ =	sfence.sel $0x180000  }
0x3d: {  	[bflag:$0x0] =	sbarrier.arrive $0xFFFF  }
0x3e: {  	p0 =	sne.s32 s0, $0x0;
	_ =	strace $0x90000047  }
0x3f: {  	s0 =	sadd.s32 @!p0 $0x100000, s1;
	[bflag:$0x2] =	sbarrier.arrive $0xFFFF  }
0x40: {  	[sflag:s0] =	ssyncadd.tile.s32 @!p0 $0x1;
	_ =	shalt  }
.Lfunc_end2:
_tile_overlayer_lowered:
.L_overlay_start_2:
0x41: {  	(tag) =	ssettag $0x2  }
0x42: {  	s0 =	rddreg [dreg:$0x0];
	s2 =	stileid.u32  }
0x43: {  	s1 =	rddreg [dreg:$0x1];
	p0 =	sne.s32 s2, $0x0  }
0x44: {  	s3 =	rddreg [dreg:$0x2];
	[bflag:$0x3] =	sbarrier.arrive $0xFFFF;
	s2 =	simm.s32 @!p0 $0x1C03  }
0x45: {  	[timem:s3], [sflag:s2] =	dma.local @!p0 [hbm:s0], s1  }
0x46: {  	s0 =	simm.s32 @!p0 $0x3  }
0x47: {  	_ =	swait.ge @!p0 [sflag:s0], s1  }
0x48: {  	s1 =	ssub.s32 @!p0 $0x0, s1;
	[sflag:s0] =	ssyncset.done @!p0 $0x0  }
0x49: {  	[sflag:s0] =	ssyncadd.s32 @!p0 s1  }
0x4a: {  	[bflag:$0x3] =	sbarrier.arrive $0xFFFF  }
0x4b: {  	_ =	shalt  }

</sc_bundles>
